<compile_context>
chip_gen: v7x
topology: tpu7x:2x2x1
jax: 0.10.2.dev20260603
libtpu: 0.0.44.dev20260713+nightly
codegen_flags: <defaults>
</compile_context>

<pallas_src>
import functools

import jax
import jax.numpy as jnp
from jax import lax
from jax.experimental import pallas as pl
from jax.experimental.pallas import tpu as pltpu
from jax.experimental.pallas import tpu_sc as plsc

NUM_EMB = 1_000_000
DIM = 64
B_TOTAL = 16384 * 20
LANE = 128
N_WORKERS = 32
ROWS_TOTAL = B_TOTAL // LANE
ROWS_PER_W = ROWS_TOTAL // N_WORKERS
KCH = 4
N_CHUNKS = ROWS_PER_W // KCH


TCB = 10240
TGRID = -(-NUM_EMB // TCB)
N_PAIR = NUM_EMB // 2


def _tc_pack(at):

    def body(in_ref, out_ref):
        z = in_ref[...].T.reshape(TCB // 2, 2, DIM)
        out_ref[...] = jnp.concatenate([z[:, 0, :], z[:, 1, :]], axis=1)

    return pl.pallas_call(
        body,
        grid=(TGRID,),
        in_specs=[pl.BlockSpec((DIM, TCB), lambda i: (0, i))],
        out_specs=pl.BlockSpec((TCB // 2, 128), lambda i: (i, 0)),
        out_shape=jax.ShapeDtypeStruct((N_PAIR, 128), jnp.float32),
    )(at)


def _sc_gather(x2, table):
    mesh = plsc.VectorSubcoreMesh(core_axis_name="c", subcore_axis_name="s")

    @functools.partial(
        pl.kernel,
        out_type=jax.ShapeDtypeStruct((ROWS_TOTAL, LANE, DIM), jnp.float32),
        mesh=mesh,
        scratch_types=[
            pltpu.VMEM((KCH, LANE), jnp.int32),
            pltpu.VMEM((KCH, LANE), jnp.int32),
            pltpu.VMEM((KCH, LANE, DIM), jnp.float32),
            pltpu.VMEM((KCH, LANE, DIM), jnp.float32),
            pltpu.SemaphoreType.DMA,
            pltpu.SemaphoreType.DMA,
        ],
        compiler_params=pltpu.CompilerParams(use_tc_tiling_on_sc=False),
    )
    def k(x_hbm, tab_hbm, out_hbm, idx0, idx1, rows0, rows1, sem0, sem1):
        wid = lax.axis_index("s") * 2 + lax.axis_index("c")
        row0 = wid * ROWS_PER_W
        idx_b = (idx0, idx1)
        rows_b = (rows0, rows1)
        sem_b = (sem0, sem1)

        def fire(g, b):
            r = row0 + g * KCH
            pltpu.sync_copy(x_hbm.at[pl.ds(r, KCH)], idx_b[b])
            for j in range(KCH):
                pltpu.async_copy(
                    tab_hbm.at[idx_b[b].at[j]], rows_b[b].at[j], sem_b[b]
                )

        def drain_store(g, b):
            for j in range(KCH):
                pltpu.make_async_copy(
                    tab_hbm.at[idx_b[b].at[j]], rows_b[b].at[j], sem_b[b]
                ).wait()
            pltpu.sync_copy(rows_b[b], out_hbm.at[pl.ds(row0 + g * KCH, KCH)])

        fire(0, 0)

        def outer(gg, carry):
            for b in range(2):
                g = gg * 2 + b

                @pl.when(g + 1 < N_CHUNKS)
                def _():
                    fire(g + 1, 1 - b)

                drain_store(g, b)
            return carry

        lax.fori_loop(0, N_CHUNKS // 2, outer, 0)

    return k(x2, table)


def kernel(x, A):
    x2 = x.T.reshape(ROWS_TOTAL, LANE).astype(jnp.int32)
    lin = _tc_pack(A.T).reshape(NUM_EMB, DIM)
    out = _sc_gather(x2, lin)
    return out.reshape(20, 16384, DIM).transpose(1, 0, 2)

# --- scband reference (transcript-rebuilt; emitter-appended) ---
"""Pipeline reference for scband-additional-embedding-1159641170463 (READ-ONLY COPY).

The authoritative reference and input builder live on the scoring server;
editing this copy changes nothing except your own understanding.
"""

import jax, jax.numpy as jnp
import numpy as np

NUM_EMBEDDINGS = 1000000
EMBEDDING_DIM = 64

def setup_inputs(seed: int = 0) -> dict:
    key = jax.random.key(seed)
    k_x, k_A = jax.random.split(key)
    x = jax.random.randint(k_x, (16384, 20), 0, NUM_EMBEDDINGS, dtype=jnp.int64) if jax.config.jax_enable_x64 else jax.random.randint(k_x, (16384, 20), 0, NUM_EMBEDDINGS, dtype=jnp.int32)
    # A is initialized with normal_ since rank is None (per reset_parameters)
    A = jax.random.normal(k_A, (NUM_EMBEDDINGS, EMBEDDING_DIM), dtype=jnp.float32)
    return {"x": x, "A": A}

def reference(x, A):
    # AdditionalEmbedding.forward with enable=True, rank=None, dropout=None,
    # padding_idx=None, max_norm=None: result = F.embedding(x, A)
    result = jnp.take(A, x, axis=0)
    return result

if __name__ == "__main__":
    import jax
    _d = setup_inputs()
    print(jax.jit(kernel)(*tuple(_d.values())))

</pallas_src>

<mosaic_0001>
#map = affine_map<(d0, d1) -> (0, 0)>
#map1 = affine_map<(d0, d1) -> (0, 0, 0)>
module attributes {stable_mosaic.version = 14 : i64} {
  func.func @k(%arg0: i32, %arg1: i32, %arg2: memref<2560x128xi32, #tpu.memory_space<hbm>>, %arg3: memref<1000000x64xf32, #tpu.memory_space<hbm>>, %arg4: memref<2560x128x64xf32, #tpu.memory_space<hbm>>, %arg5: memref<4x128xi32, #tpu.memory_space<vmem>>, %arg6: memref<4x128xi32, #tpu.memory_space<vmem>>, %arg7: memref<4x128x64xf32, #tpu.memory_space<vmem>>, %arg8: memref<4x128x64xf32, #tpu.memory_space<vmem>>, %arg9: memref<!tpu.dma_semaphore, #tpu.memory_space<semaphore_mem>>, %arg10: memref<!tpu.dma_semaphore, #tpu.memory_space<semaphore_mem>>) attributes {dimension_semantics = [#tpu.dimension_semantics<core_parallel>, #tpu.dimension_semantics<subcore_parallel>], iteration_bounds = array<i64: 2, 16>, scalar_prefetch = 0 : i64, scratch_operands = 6 : i64, tpu.core_type = #tpu.core_type<sc_vector_subcore>, window_params = [{transform_indices = #map}, {transform_indices = #map}, {transform_indices = #map1}]} {
    %mul3A = arith.constant 2 : i32
    %mul3A_0 = arith.muli %arg1, %mul3A : i32
    %add3A = arith.addi %mul3A_0, %arg0 : i32
    %mul3A_1 = arith.constant 80 : i32
    %mul3A_2 = arith.muli %add3A, %mul3A_1 : i32
    %add3A_3 = arith.constant 0 : i32
    %add3A_4 = arith.addi %mul3A_2, %add3A_3 : i32
    "tpu.region"() ({
      %run_scoped3A = tpu.sem_alloc : memref<!tpu.dma_semaphore, #tpu.memory_space<semaphore_mem>>
      %dma_start3A_57 = arith.constant 0 : i32
      %dma_start3A_58 = tpu.memref_slice %arg2[%add3A_4, %dma_start3A_57] : memref<2560x128xi32, #tpu.memory_space<hbm>> -> memref<4x128xi32, #tpu.memory_space<hbm>>
      %dma_start3A_59 = arith.constant 0 : i32
      %dma_start3A_60 = tpu.memref_slice %arg2[%add3A_4, %dma_start3A_59] : memref<2560x128xi32, #tpu.memory_space<hbm>> -> memref<4x128xi32, #tpu.memory_space<hbm>>
      tpu.enqueue_dma source(%dma_start3A_60 : memref<4x128xi32, #tpu.memory_space<hbm>>) target(%arg5 : memref<4x128xi32, #tpu.memory_space<vmem>>) target_semaphore(%run_scoped3A : memref<!tpu.dma_semaphore, #tpu.memory_space<semaphore_mem>>)
      %dma_wait3A = arith.constant 0 : i32
      %dma_wait3A_61 = tpu.memref_slice %arg2[%add3A_4, %dma_wait3A] : memref<2560x128xi32, #tpu.memory_space<hbm>> -> memref<4x128xi32, #tpu.memory_space<hbm>>
      %dma_wait3A_62 = arith.constant 0 : i32
      %dma_wait3A_63 = tpu.memref_slice %arg2[%add3A_4, %dma_wait3A_62] : memref<2560x128xi32, #tpu.memory_space<hbm>> -> memref<4x128xi32, #tpu.memory_space<hbm>>
      tpu.wait_dma2 semaphore(%run_scoped3A : memref<!tpu.dma_semaphore, #tpu.memory_space<semaphore_mem>>) src(%dma_wait3A_63 : memref<4x128xi32, #tpu.memory_space<hbm>>) dst(%arg5 : memref<4x128xi32, #tpu.memory_space<vmem>>)
      tpu.yield
    }) : () -> ()
    %dma_start3A = arith.constant 0 : i32
    %dma_start3A_5 = arith.constant 0 : i32
    %dma_start3A_6 = arith.constant 0 : i32
    %dma_start3A_7 = arith.constant 0 : i32
    %dma_start3A_8 = tpu.memref_slice %arg7[%dma_start3A_5, %dma_start3A_6, %dma_start3A_7] : memref<4x128x64xf32, #tpu.memory_space<vmem>> -> memref<1x128x64xf32, #tpu.memory_space<vmem>>
    %dma_start3A_9 = tpu.memref_squeeze %dma_start3A_8 : memref<1x128x64xf32, #tpu.memory_space<vmem>> -> memref<128x64xf32, #tpu.memory_space<vmem>>
    %dma_start3A_10 = arith.constant 0 : i32
    %dma_start3A_11 = tpu.memref_slice %arg5[%dma_start3A, %dma_start3A_10] : memref<4x128xi32, #tpu.memory_space<vmem>> -> memref<1x128xi32, #tpu.memory_space<vmem>>
    %dma_start3A_12 = tpu.memref_squeeze %dma_start3A_11 : memref<1x128xi32, #tpu.memory_space<vmem>> -> memref<128xi32, #tpu.memory_space<vmem>>
    %dma_start3A_13 = arith.constant 0 : i32
    %dma_start3A_14 = arith.constant 0 : i32
    %dma_start3A_15 = tpu.memref_slice %arg3[%dma_start3A_13, %dma_start3A_14] : memref<1000000x64xf32, #tpu.memory_space<hbm>> -> memref<1000000x64xf32, #tpu.memory_space<hbm>>
    tpu.enqueue_indirect_dma source(%dma_start3A_15 : memref<1000000x64xf32, #tpu.memory_space<hbm>>) target(%dma_start3A_9 : memref<128x64xf32, #tpu.memory_space<vmem>>) offsets(%dma_start3A_12 : memref<128xi32, #tpu.memory_space<vmem>>) semaphore(%arg9 : memref<!tpu.dma_semaphore, #tpu.memory_space<semaphore_mem>>)
    %dma_start3A_16 = arith.constant 1 : i32
    %dma_start3A_17 = arith.constant 1 : i32
    %dma_start3A_18 = arith.constant 0 : i32
    %dma_start3A_19 = arith.constant 0 : i32
    %dma_start3A_20 = tpu.memref_slice %arg7[%dma_start3A_17, %dma_start3A_18, %dma_start3A_19] : memref<4x128x64xf32, #tpu.memory_space<vmem>> -> memref<1x128x64xf32, #tpu.memory_space<vmem>>
    %dma_start3A_21 = tpu.memref_squeeze %dma_start3A_20 : memref<1x128x64xf32, #tpu.memory_space<vmem>> -> memref<128x64xf32, #tpu.memory_space<vmem>>
    %dma_start3A_22 = arith.constant 0 : i32
    %dma_start3A_23 = tpu.memref_slice %arg5[%dma_start3A_16, %dma_start3A_22] : memref<4x128xi32, #tpu.memory_space<vmem>> -> memref<1x128xi32, #tpu.memory_space<vmem>>
    %dma_start3A_24 = tpu.memref_squeeze %dma_start3A_23 : memref<1x128xi32, #tpu.memory_space<vmem>> -> memref<128xi32, #tpu.memory_space<vmem>>
    %dma_start3A_25 = arith.constant 0 : i32
    %dma_start3A_26 = arith.constant 0 : i32
    %dma_start3A_27 = tpu.memref_slice %arg3[%dma_start3A_25, %dma_start3A_26] : memref<1000000x64xf32, #tpu.memory_space<hbm>> -> memref<1000000x64xf32, #tpu.memory_space<hbm>>
    tpu.enqueue_indirect_dma source(%dma_start3A_27 : memref<1000000x64xf32, #tpu.memory_space<hbm>>) target(%dma_start3A_21 : memref<128x64xf32, #tpu.memory_space<vmem>>) offsets(%dma_start3A_24 : memref<128xi32, #tpu.memory_space<vmem>>) semaphore(%arg9 : memref<!tpu.dma_semaphore, #tpu.memory_space<semaphore_mem>>)
    %dma_start3A_28 = arith.constant 2 : i32
    %dma_start3A_29 = arith.constant 2 : i32
    %dma_start3A_30 = arith.constant 0 : i32
    %dma_start3A_31 = arith.constant 0 : i32
    %dma_start3A_32 = tpu.memref_slice %arg7[%dma_start3A_29, %dma_start3A_30, %dma_start3A_31] : memref<4x128x64xf32, #tpu.memory_space<vmem>> -> memref<1x128x64xf32, #tpu.memory_space<vmem>>
    %dma_start3A_33 = tpu.memref_squeeze %dma_start3A_32 : memref<1x128x64xf32, #tpu.memory_space<vmem>> -> memref<128x64xf32, #tpu.memory_space<vmem>>
    %dma_start3A_34 = arith.constant 0 : i32
    %dma_start3A_35 = tpu.memref_slice %arg5[%dma_start3A_28, %dma_start3A_34] : memref<4x128xi32, #tpu.memory_space<vmem>> -> memref<1x128xi32, #tpu.memory_space<vmem>>
    %dma_start3A_36 = tpu.memref_squeeze %dma_start3A_35 : memref<1x128xi32, #tpu.memory_space<vmem>> -> memref<128xi32, #tpu.memory_space<vmem>>
    %dma_start3A_37 = arith.constant 0 : i32
    %dma_start3A_38 = arith.constant 0 : i32
    %dma_start3A_39 = tpu.memref_slice %arg3[%dma_start3A_37, %dma_start3A_38] : memref<1000000x64xf32, #tpu.memory_space<hbm>> -> memref<1000000x64xf32, #tpu.memory_space<hbm>>
    tpu.enqueue_indirect_dma source(%dma_start3A_39 : memref<1000000x64xf32, #tpu.memory_space<hbm>>) target(%dma_start3A_33 : memref<128x64xf32, #tpu.memory_space<vmem>>) offsets(%dma_start3A_36 : memref<128xi32, #tpu.memory_space<vmem>>) semaphore(%arg9 : memref<!tpu.dma_semaphore, #tpu.memory_space<semaphore_mem>>)
    %dma_start3A_40 = arith.constant 3 : i32
    %dma_start3A_41 = arith.constant 3 : i32
    %dma_start3A_42 = arith.constant 0 : i32
    %dma_start3A_43 = arith.constant 0 : i32
    %dma_start3A_44 = tpu.memref_slice %arg7[%dma_start3A_41, %dma_start3A_42, %dma_start3A_43] : memref<4x128x64xf32, #tpu.memory_space<vmem>> -> memref<1x128x64xf32, #tpu.memory_space<vmem>>
    %dma_start3A_45 = tpu.memref_squeeze %dma_start3A_44 : memref<1x128x64xf32, #tpu.memory_space<vmem>> -> memref<128x64xf32, #tpu.memory_space<vmem>>
    %dma_start3A_46 = arith.constant 0 : i32
    %dma_start3A_47 = tpu.memref_slice %arg5[%dma_start3A_40, %dma_start3A_46] : memref<4x128xi32, #tpu.memory_space<vmem>> -> memref<1x128xi32, #tpu.memory_space<vmem>>
    %dma_start3A_48 = tpu.memref_squeeze %dma_start3A_47 : memref<1x128xi32, #tpu.memory_space<vmem>> -> memref<128xi32, #tpu.memory_space<vmem>>
    %dma_start3A_49 = arith.constant 0 : i32
    %dma_start3A_50 = arith.constant 0 : i32
    %dma_start3A_51 = tpu.memref_slice %arg3[%dma_start3A_49, %dma_start3A_50] : memref<1000000x64xf32, #tpu.memory_space<hbm>> -> memref<1000000x64xf32, #tpu.memory_space<hbm>>
    tpu.enqueue_indirect_dma source(%dma_start3A_51 : memref<1000000x64xf32, #tpu.memory_space<hbm>>) target(%dma_start3A_45 : memref<128x64xf32, #tpu.memory_space<vmem>>) offsets(%dma_start3A_48 : memref<128xi32, #tpu.memory_space<vmem>>) semaphore(%arg9 : memref<!tpu.dma_semaphore, #tpu.memory_space<semaphore_mem>>)
    %scan3A = arith.constant 0 : i32
    %scan3A_52 = arith.constant 0 : i32
    %scan3A_53 = arith.constant 10 : i32
    %scan3A_54 = arith.addi %scan3A_52, %scan3A_53 : i32
    %scan3A_55 = arith.constant 1 : i32
    scf.for %scan3A_57 = %scan3A_52 to %scan3A_54 step %scan3A_55  : i32 {
      %mul3A_58 = arith.constant 2 : i32
      %mul3A_59 = arith.muli %scan3A_57, %mul3A_58 : i32
      %add3A_60 = arith.constant 0 : i32
      %add3A_61 = arith.addi %mul3A_59, %add3A_60 : i32
      %add3A_62 = arith.constant 1 : i32
      %add3A_63 = arith.addi %add3A_61, %add3A_62 : i32
      %lt3A = arith.constant 20 : i32
      %lt3A_64 = arith.cmpi slt, %add3A_63, %lt3A : i32
      %convert_element_type3A = arith.extui %lt3A_64 : i1 to i32
      %cond3A = arith.constant 0 : i32
      %cond3A_65 = arith.cmpi ne, %convert_element_type3A, %cond3A : i32
      scf.if %cond3A_65 {
        %add3A_178 = arith.constant 1 : i32
        %add3A_179 = arith.addi %add3A_61, %add3A_178 : i32
        %mul3A_180 = arith.constant 4 : i32
        %mul3A_181 = arith.muli %add3A_179, %mul3A_180 : i32
        %add3A_182 = arith.addi %mul3A_2, %mul3A_181 : i32
        "tpu.region"() ({
          %run_scoped3A = tpu.sem_alloc : memref<!tpu.dma_semaphore, #tpu.memory_space<semaphore_mem>>
          %dma_start3A_231 = arith.constant 0 : i32
          %dma_start3A_232 = tpu.memref_slice %arg2[%add3A_182, %dma_start3A_231] : memref<2560x128xi32, #tpu.memory_space<hbm>> -> memref<4x128xi32, #tpu.memory_space<hbm>>
          %dma_start3A_233 = arith.constant 0 : i32
          %dma_start3A_234 = tpu.memref_slice %arg2[%add3A_182, %dma_start3A_233] : memref<2560x128xi32, #tpu.memory_space<hbm>> -> memref<4x128xi32, #tpu.memory_space<hbm>>
          tpu.enqueue_dma source(%dma_start3A_234 : memref<4x128xi32, #tpu.memory_space<hbm>>) target(%arg6 : memref<4x128xi32, #tpu.memory_space<vmem>>) target_semaphore(%run_scoped3A : memref<!tpu.dma_semaphore, #tpu.memory_space<semaphore_mem>>)
          %dma_wait3A_235 = arith.constant 0 : i32
          %dma_wait3A_236 = tpu.memref_slice %arg2[%add3A_182, %dma_wait3A_235] : memref<2560x128xi32, #tpu.memory_space<hbm>> -> memref<4x128xi32, #tpu.memory_space<hbm>>
          %dma_wait3A_237 = arith.constant 0 : i32
          %dma_wait3A_238 = tpu.memref_slice %arg2[%add3A_182, %dma_wait3A_237] : memref<2560x128xi32, #tpu.memory_space<hbm>> -> memref<4x128xi32, #tpu.memory_space<hbm>>
          tpu.wait_dma2 semaphore(%run_scoped3A : memref<!tpu.dma_semaphore, #tpu.memory_space<semaphore_mem>>) src(%dma_wait3A_238 : memref<4x128xi32, #tpu.memory_space<hbm>>) dst(%arg6 : memref<4x128xi32, #tpu.memory_space<vmem>>)
          tpu.yield
        }) : () -> ()
        %dma_start3A_183 = arith.constant 0 : i32
        %dma_start3A_184 = arith.constant 0 : i32
        %dma_start3A_185 = arith.constant 0 : i32
        %dma_start3A_186 = arith.constant 0 : i32
        %dma_start3A_187 = tpu.memref_slice %arg8[%dma_start3A_184, %dma_start3A_185, %dma_start3A_186] : memref<4x128x64xf32, #tpu.memory_space<vmem>> -> memref<1x128x64xf32, #tpu.memory_space<vmem>>
        %dma_start3A_188 = tpu.memref_squeeze %dma_start3A_187 : memref<1x128x64xf32, #tpu.memory_space<vmem>> -> memref<128x64xf32, #tpu.memory_space<vmem>>
        %dma_start3A_189 = arith.constant 0 : i32
        %dma_start3A_190 = tpu.memref_slice %arg6[%dma_start3A_183, %dma_start3A_189] : memref<4x128xi32, #tpu.memory_space<vmem>> -> memref<1x128xi32, #tpu.memory_space<vmem>>
        %dma_start3A_191 = tpu.memref_squeeze %dma_start3A_190 : memref<1x128xi32, #tpu.memory_space<vmem>> -> memref<128xi32, #tpu.memory_space<vmem>>
        %dma_start3A_192 = arith.constant 0 : i32
        %dma_start3A_193 = arith.constant 0 : i32
        %dma_start3A_194 = tpu.memref_slice %arg3[%dma_start3A_192, %dma_start3A_193] : memref<1000000x64xf32, #tpu.memory_space<hbm>> -> memref<1000000x64xf32, #tpu.memory_space<hbm>>
        tpu.enqueue_indirect_dma source(%dma_start3A_194 : memref<1000000x64xf32, #tpu.memory_space<hbm>>) target(%dma_start3A_188 : memref<128x64xf32, #tpu.memory_space<vmem>>) offsets(%dma_start3A_191 : memref<128xi32, #tpu.memory_space<vmem>>) semaphore(%arg10 : memref<!tpu.dma_semaphore, #tpu.memory_space<semaphore_mem>>)
        %dma_start3A_195 = arith.constant 1 : i32
        %dma_start3A_196 = arith.constant 1 : i32
        %dma_start3A_197 = arith.constant 0 : i32
        %dma_start3A_198 = arith.constant 0 : i32
        %dma_start3A_199 = tpu.memref_slice %arg8[%dma_start3A_196, %dma_start3A_197, %dma_start3A_198] : memref<4x128x64xf32, #tpu.memory_space<vmem>> -> memref<1x128x64xf32, #tpu.memory_space<vmem>>
        %dma_start3A_200 = tpu.memref_squeeze %dma_start3A_199 : memref<1x128x64xf32, #tpu.memory_space<vmem>> -> memref<128x64xf32, #tpu.memory_space<vmem>>
        %dma_start3A_201 = arith.constant 0 : i32
        %dma_start3A_202 = tpu.memref_slice %arg6[%dma_start3A_195, %dma_start3A_201] : memref<4x128xi32, #tpu.memory_space<vmem>> -> memref<1x128xi32, #tpu.memory_space<vmem>>
        %dma_start3A_203 = tpu.memref_squeeze %dma_start3A_202 : memref<1x128xi32, #tpu.memory_space<vmem>> -> memref<128xi32, #tpu.memory_space<vmem>>
        %dma_start3A_204 = arith.constant 0 : i32
        %dma_start3A_205 = arith.constant 0 : i32
        %dma_start3A_206 = tpu.memref_slice %arg3[%dma_start3A_204, %dma_start3A_205] : memref<1000000x64xf32, #tpu.memory_space<hbm>> -> memref<1000000x64xf32, #tpu.memory_space<hbm>>
        tpu.enqueue_indirect_dma source(%dma_start3A_206 : memref<1000000x64xf32, #tpu.memory_space<hbm>>) target(%dma_start3A_200 : memref<128x64xf32, #tpu.memory_space<vmem>>) offsets(%dma_start3A_203 : memref<128xi32, #tpu.memory_space<vmem>>) semaphore(%arg10 : memref<!tpu.dma_semaphore, #tpu.memory_space<semaphore_mem>>)
        %dma_start3A_207 = arith.constant 2 : i32
        %dma_start3A_208 = arith.constant 2 : i32
        %dma_start3A_209 = arith.constant 0 : i32
        %dma_start3A_210 = arith.constant 0 : i32
        %dma_start3A_211 = tpu.memref_slice %arg8[%dma_start3A_208, %dma_start3A_209, %dma_start3A_210] : memref<4x128x64xf32, #tpu.memory_space<vmem>> -> memref<1x128x64xf32, #tpu.memory_space<vmem>>
        %dma_start3A_212 = tpu.memref_squeeze %dma_start3A_211 : memref<1x128x64xf32, #tpu.memory_space<vmem>> -> memref<128x64xf32, #tpu.memory_space<vmem>>
        %dma_start3A_213 = arith.constant 0 : i32
        %dma_start3A_214 = tpu.memref_slice %arg6[%dma_start3A_207, %dma_start3A_213] : memref<4x128xi32, #tpu.memory_space<vmem>> -> memref<1x128xi32, #tpu.memory_space<vmem>>
        %dma_start3A_215 = tpu.memref_squeeze %dma_start3A_214 : memref<1x128xi32, #tpu.memory_space<vmem>> -> memref<128xi32, #tpu.memory_space<vmem>>
        %dma_start3A_216 = arith.constant 0 : i32
        %dma_start3A_217 = arith.constant 0 : i32
        %dma_start3A_218 = tpu.memref_slice %arg3[%dma_start3A_216, %dma_start3A_217] : memref<1000000x64xf32, #tpu.memory_space<hbm>> -> memref<1000000x64xf32, #tpu.memory_space<hbm>>
        tpu.enqueue_indirect_dma source(%dma_start3A_218 : memref<1000000x64xf32, #tpu.memory_space<hbm>>) target(%dma_start3A_212 : memref<128x64xf32, #tpu.memory_space<vmem>>) offsets(%dma_start3A_215 : memref<128xi32, #tpu.memory_space<vmem>>) semaphore(%arg10 : memref<!tpu.dma_semaphore, #tpu.memory_space<semaphore_mem>>)
        %dma_start3A_219 = arith.constant 3 : i32
        %dma_start3A_220 = arith.constant 3 : i32
        %dma_start3A_221 = arith.constant 0 : i32
        %dma_start3A_222 = arith.constant 0 : i32
        %dma_start3A_223 = tpu.memref_slice %arg8[%dma_start3A_220, %dma_start3A_221, %dma_start3A_222] : memref<4x128x64xf32, #tpu.memory_space<vmem>> -> memref<1x128x64xf32, #tpu.memory_space<vmem>>
        %dma_start3A_224 = tpu.memref_squeeze %dma_start3A_223 : memref<1x128x64xf32, #tpu.memory_space<vmem>> -> memref<128x64xf32, #tpu.memory_space<vmem>>
        %dma_start3A_225 = arith.constant 0 : i32
        %dma_start3A_226 = tpu.memref_slice %arg6[%dma_start3A_219, %dma_start3A_225] : memref<4x128xi32, #tpu.memory_space<vmem>> -> memref<1x128xi32, #tpu.memory_space<vmem>>
        %dma_start3A_227 = tpu.memref_squeeze %dma_start3A_226 : memref<1x128xi32, #tpu.memory_space<vmem>> -> memref<128xi32, #tpu.memory_space<vmem>>
        %dma_start3A_228 = arith.constant 0 : i32
        %dma_start3A_229 = arith.constant 0 : i32
        %dma_start3A_230 = tpu.memref_slice %arg3[%dma_start3A_228, %dma_start3A_229] : memref<1000000x64xf32, #tpu.memory_space<hbm>> -> memref<1000000x64xf32, #tpu.memory_space<hbm>>
        tpu.enqueue_indirect_dma source(%dma_start3A_230 : memref<1000000x64xf32, #tpu.memory_space<hbm>>) target(%dma_start3A_224 : memref<128x64xf32, #tpu.memory_space<vmem>>) offsets(%dma_start3A_227 : memref<128xi32, #tpu.memory_space<vmem>>) semaphore(%arg10 : memref<!tpu.dma_semaphore, #tpu.memory_space<semaphore_mem>>)
      } else {
      }
      %dma_wait3A = arith.constant 0 : i32
      %dma_wait3A_66 = arith.constant 0 : i32
      %dma_wait3A_67 = arith.constant 0 : i32
      %dma_wait3A_68 = arith.constant 0 : i32
      %dma_wait3A_69 = tpu.memref_slice %arg7[%dma_wait3A_66, %dma_wait3A_67, %dma_wait3A_68] : memref<4x128x64xf32, #tpu.memory_space<vmem>> -> memref<1x128x64xf32, #tpu.memory_space<vmem>>
      %dma_wait3A_70 = tpu.memref_squeeze %dma_wait3A_69 : memref<1x128x64xf32, #tpu.memory_space<vmem>> -> memref<128x64xf32, #tpu.memory_space<vmem>>
      %dma_wait3A_71 = arith.constant 0 : i32
      %dma_wait3A_72 = tpu.memref_slice %arg5[%dma_wait3A, %dma_wait3A_71] : memref<4x128xi32, #tpu.memory_space<vmem>> -> memref<1x128xi32, #tpu.memory_space<vmem>>
      %dma_wait3A_73 = tpu.memref_squeeze %dma_wait3A_72 : memref<1x128xi32, #tpu.memory_space<vmem>> -> memref<128xi32, #tpu.memory_space<vmem>>
      %dma_wait3A_74 = arith.constant 0 : i32
      %dma_wait3A_75 = arith.constant 0 : i32
      %dma_wait3A_76 = tpu.memref_slice %arg3[%dma_wait3A_74, %dma_wait3A_75] : memref<1000000x64xf32, #tpu.memory_space<hbm>> -> memref<1000000x64xf32, #tpu.memory_space<hbm>>
      tpu.wait_indirect_dma semaphore(%arg9 : memref<!tpu.dma_semaphore, #tpu.memory_space<semaphore_mem>>) src(%dma_wait3A_76 : memref<1000000x64xf32, #tpu.memory_space<hbm>>) dst(%dma_wait3A_70 : memref<128x64xf32, #tpu.memory_space<vmem>>)
      %dma_wait3A_77 = arith.constant 1 : i32
      %dma_wait3A_78 = arith.constant 1 : i32
      %dma_wait3A_79 = arith.constant 0 : i32
      %dma_wait3A_80 = arith.constant 0 : i32
      %dma_wait3A_81 = tpu.memref_slice %arg7[%dma_wait3A_78, %dma_wait3A_79, %dma_wait3A_80] : memref<4x128x64xf32, #tpu.memory_space<vmem>> -> memref<1x128x64xf32, #tpu.memory_space<vmem>>
      %dma_wait3A_82 = tpu.memref_squeeze %dma_wait3A_81 : memref<1x128x64xf32, #tpu.memory_space<vmem>> -> memref<128x64xf32, #tpu.memory_space<vmem>>
      %dma_wait3A_83 = arith.constant 0 : i32
      %dma_wait3A_84 = tpu.memref_slice %arg5[%dma_wait3A_77, %dma_wait3A_83] : memref<4x128xi32, #tpu.memory_space<vmem>> -> memref<1x128xi32, #tpu.memory_space<vmem>>
      %dma_wait3A_85 = tpu.memref_squeeze %dma_wait3A_84 : memref<1x128xi32, #tpu.memory_space<vmem>> -> memref<128xi32, #tpu.memory_space<vmem>>
      %dma_wait3A_86 = arith.constant 0 : i32
      %dma_wait3A_87 = arith.constant 0 : i32
      %dma_wait3A_88 = tpu.memref_slice %arg3[%dma_wait3A_86, %dma_wait3A_87] : memref<1000000x64xf32, #tpu.memory_space<hbm>> -> memref<1000000x64xf32, #tpu.memory_space<hbm>>
      tpu.wait_indirect_dma semaphore(%arg9 : memref<!tpu.dma_semaphore, #tpu.memory_space<semaphore_mem>>) src(%dma_wait3A_88 : memref<1000000x64xf32, #tpu.memory_space<hbm>>) dst(%dma_wait3A_82 : memref<128x64xf32, #tpu.memory_space<vmem>>)
      %dma_wait3A_89 = arith.constant 2 : i32
      %dma_wait3A_90 = arith.constant 2 : i32
      %dma_wait3A_91 = arith.constant 0 : i32
      %dma_wait3A_92 = arith.constant 0 : i32
      %dma_wait3A_93 = tpu.memref_slice %arg7[%dma_wait3A_90, %dma_wait3A_91, %dma_wait3A_92] : memref<4x128x64xf32, #tpu.memory_space<vmem>> -> memref<1x128x64xf32, #tpu.memory_space<vmem>>
      %dma_wait3A_94 = tpu.memref_squeeze %dma_wait3A_93 : memref<1x128x64xf32, #tpu.memory_space<vmem>> -> memref<128x64xf32, #tpu.memory_space<vmem>>
      %dma_wait3A_95 = arith.constant 0 : i32
      %dma_wait3A_96 = tpu.memref_slice %arg5[%dma_wait3A_89, %dma_wait3A_95] : memref<4x128xi32, #tpu.memory_space<vmem>> -> memref<1x128xi32, #tpu.memory_space<vmem>>
      %dma_wait3A_97 = tpu.memref_squeeze %dma_wait3A_96 : memref<1x128xi32, #tpu.memory_space<vmem>> -> memref<128xi32, #tpu.memory_space<vmem>>
      %dma_wait3A_98 = arith.constant 0 : i32
      %dma_wait3A_99 = arith.constant 0 : i32
      %dma_wait3A_100 = tpu.memref_slice %arg3[%dma_wait3A_98, %dma_wait3A_99] : memref<1000000x64xf32, #tpu.memory_space<hbm>> -> memref<1000000x64xf32, #tpu.memory_space<hbm>>
      tpu.wait_indirect_dma semaphore(%arg9 : memref<!tpu.dma_semaphore, #tpu.memory_space<semaphore_mem>>) src(%dma_wait3A_100 : memref<1000000x64xf32, #tpu.memory_space<hbm>>) dst(%dma_wait3A_94 : memref<128x64xf32, #tpu.memory_space<vmem>>)
      %dma_wait3A_101 = arith.constant 3 : i32
      %dma_wait3A_102 = arith.constant 3 : i32
      %dma_wait3A_103 = arith.constant 0 : i32
      %dma_wait3A_104 = arith.constant 0 : i32
      %dma_wait3A_105 = tpu.memref_slice %arg7[%dma_wait3A_102, %dma_wait3A_103, %dma_wait3A_104] : memref<4x128x64xf32, #tpu.memory_space<vmem>> -> memref<1x128x64xf32, #tpu.memory_space<vmem>>
      %dma_wait3A_106 = tpu.memref_squeeze %dma_wait3A_105 : memref<1x128x64xf32, #tpu.memory_space<vmem>> -> memref<128x64xf32, #tpu.memory_space<vmem>>
      %dma_wait3A_107 = arith.constant 0 : i32
      %dma_wait3A_108 = tpu.memref_slice %arg5[%dma_wait3A_101, %dma_wait3A_107] : memref<4x128xi32, #tpu.memory_space<vmem>> -> memref<1x128xi32, #tpu.memory_space<vmem>>
      %dma_wait3A_109 = tpu.memref_squeeze %dma_wait3A_108 : memref<1x128xi32, #tpu.memory_space<vmem>> -> memref<128xi32, #tpu.memory_space<vmem>>
      %dma_wait3A_110 = arith.constant 0 : i32
      %dma_wait3A_111 = arith.constant 0 : i32
      %dma_wait3A_112 = tpu.memref_slice %arg3[%dma_wait3A_110, %dma_wait3A_111] : memref<1000000x64xf32, #tpu.memory_space<hbm>> -> memref<1000000x64xf32, #tpu.memory_space<hbm>>
      tpu.wait_indirect_dma semaphore(%arg9 : memref<!tpu.dma_semaphore, #tpu.memory_space<semaphore_mem>>) src(%dma_wait3A_112 : memref<1000000x64xf32, #tpu.memory_space<hbm>>) dst(%dma_wait3A_106 : memref<128x64xf32, #tpu.memory_space<vmem>>)
      %mul3A_113 = arith.constant 4 : i32
      %mul3A_114 = arith.muli %add3A_61, %mul3A_113 : i32
      %add3A_115 = arith.addi %mul3A_2, %mul3A_114 : i32
      "tpu.region"() ({
        %run_scoped3A = tpu.sem_alloc : memref<!tpu.dma_semaphore, #tpu.memory_space<semaphore_mem>>
        %dma_start3A_178 = arith.constant 0 : i32
        %dma_start3A_179 = arith.constant 0 : i32
        %dma_start3A_180 = tpu.memref_slice %arg4[%add3A_115, %dma_start3A_178, %dma_start3A_179] : memref<2560x128x64xf32, #tpu.memory_space<hbm>> -> memref<4x128x64xf32, #tpu.memory_space<hbm>>
        %dma_start3A_181 = arith.constant 0 : i32
        %dma_start3A_182 = arith.constant 0 : i32
        %dma_start3A_183 = tpu.memref_slice %arg4[%add3A_115, %dma_start3A_181, %dma_start3A_182] : memref<2560x128x64xf32, #tpu.memory_space<hbm>> -> memref<4x128x64xf32, #tpu.memory_space<hbm>>
        tpu.enqueue_dma source(%arg7 : memref<4x128x64xf32, #tpu.memory_space<vmem>>) target(%dma_start3A_183 : memref<4x128x64xf32, #tpu.memory_space<hbm>>) target_semaphore(%run_scoped3A : memref<!tpu.dma_semaphore, #tpu.memory_space<semaphore_mem>>)
        %dma_wait3A_184 = arith.constant 0 : i32
        %dma_wait3A_185 = arith.constant 0 : i32
        %dma_wait3A_186 = tpu.memref_slice %arg4[%add3A_115, %dma_wait3A_184, %dma_wait3A_185] : memref<2560x128x64xf32, #tpu.memory_space<hbm>> -> memref<4x128x64xf32, #tpu.memory_space<hbm>>
        %dma_wait3A_187 = arith.constant 0 : i32
        %dma_wait3A_188 = arith.constant 0 : i32
        %dma_wait3A_189 = tpu.memref_slice %arg4[%add3A_115, %dma_wait3A_187, %dma_wait3A_188] : memref<2560x128x64xf32, #tpu.memory_space<hbm>> -> memref<4x128x64xf32, #tpu.memory_space<hbm>>
        tpu.wait_dma2 semaphore(%run_scoped3A : memref<!tpu.dma_semaphore, #tpu.memory_space<semaphore_mem>>) src(%arg7 : memref<4x128x64xf32, #tpu.memory_space<vmem>>) dst(%dma_wait3A_189 : memref<4x128x64xf32, #tpu.memory_space<hbm>>)
        tpu.yield
      }) : () -> ()
      %mul3A_116 = arith.constant 2 : i32
      %mul3A_117 = arith.muli %scan3A_57, %mul3A_116 : i32
      %add3A_118 = arith.constant 1 : i32
      %add3A_119 = arith.addi %mul3A_117, %add3A_118 : i32
      %add3A_120 = arith.constant 1 : i32
      %add3A_121 = arith.addi %add3A_119, %add3A_120 : i32
      %lt3A_122 = arith.constant 20 : i32
      %lt3A_123 = arith.cmpi slt, %add3A_121, %lt3A_122 : i32
      %convert_element_type3A_124 = arith.extui %lt3A_123 : i1 to i32
      %cond3A_125 = arith.constant 0 : i32
      %cond3A_126 = arith.cmpi ne, %convert_element_type3A_124, %cond3A_125 : i32
      scf.if %cond3A_126 {
        %add3A_178 = arith.constant 1 : i32
        %add3A_179 = arith.addi %add3A_119, %add3A_178 : i32
        %mul3A_180 = arith.constant 4 : i32
        %mul3A_181 = arith.muli %add3A_179, %mul3A_180 : i32
        %add3A_182 = arith.addi %mul3A_2, %mul3A_181 : i32
        "tpu.region"() ({
          %run_scoped3A = tpu.sem_alloc : memref<!tpu.dma_semaphore, #tpu.memory_space<semaphore_mem>>
          %dma_start3A_231 = arith.constant 0 : i32
          %dma_start3A_232 = tpu.memref_slice %arg2[%add3A_182, %dma_start3A_231] : memref<2560x128xi32, #tpu.memory_space<hbm>> -> memref<4x128xi32, #tpu.memory_space<hbm>>
          %dma_start3A_233 = arith.constant 0 : i32
          %dma_start3A_234 = tpu.memref_slice %arg2[%add3A_182, %dma_start3A_233] : memref<2560x128xi32, #tpu.memory_space<hbm>> -> memref<4x128xi32, #tpu.memory_space<hbm>>
          tpu.enqueue_dma source(%dma_start3A_234 : memref<4x128xi32, #tpu.memory_space<hbm>>) target(%arg5 : memref<4x128xi32, #tpu.memory_space<vmem>>) target_semaphore(%run_scoped3A : memref<!tpu.dma_semaphore, #tpu.memory_space<semaphore_mem>>)
          %dma_wait3A_235 = arith.constant 0 : i32
          %dma_wait3A_236 = tpu.memref_slice %arg2[%add3A_182, %dma_wait3A_235] : memref<2560x128xi32, #tpu.memory_space<hbm>> -> memref<4x128xi32, #tpu.memory_space<hbm>>
          %dma_wait3A_237 = arith.constant 0 : i32
          %dma_wait3A_238 = tpu.memref_slice %arg2[%add3A_182, %dma_wait3A_237] : memref<2560x128xi32, #tpu.memory_space<hbm>> -> memref<4x128xi32, #tpu.memory_space<hbm>>
          tpu.wait_dma2 semaphore(%run_scoped3A : memref<!tpu.dma_semaphore, #tpu.memory_space<semaphore_mem>>) src(%dma_wait3A_238 : memref<4x128xi32, #tpu.memory_space<hbm>>) dst(%arg5 : memref<4x128xi32, #tpu.memory_space<vmem>>)
          tpu.yield
        }) : () -> ()
        %dma_start3A_183 = arith.constant 0 : i32
        %dma_start3A_184 = arith.constant 0 : i32
        %dma_start3A_185 = arith.constant 0 : i32
        %dma_start3A_186 = arith.constant 0 : i32
        %dma_start3A_187 = tpu.memref_slice %arg7[%dma_start3A_184, %dma_start3A_185, %dma_start3A_186] : memref<4x128x64xf32, #tpu.memory_space<vmem>> -> memref<1x128x64xf32, #tpu.memory_space<vmem>>
        %dma_start3A_188 = tpu.memref_squeeze %dma_start3A_187 : memref<1x128x64xf32, #tpu.memory_space<vmem>> -> memref<128x64xf32, #tpu.memory_space<vmem>>
        %dma_start3A_189 = arith.constant 0 : i32
        %dma_start3A_190 = tpu.memref_slice %arg5[%dma_start3A_183, %dma_start3A_189] : memref<4x128xi32, #tpu.memory_space<vmem>> -> memref<1x128xi32, #tpu.memory_space<vmem>>
        %dma_start3A_191 = tpu.memref_squeeze %dma_start3A_190 : memref<1x128xi32, #tpu.memory_space<vmem>> -> memref<128xi32, #tpu.memory_space<vmem>>
        %dma_start3A_192 = arith.constant 0 : i32
        %dma_start3A_193 = arith.constant 0 : i32
        %dma_start3A_194 = tpu.memref_slice %arg3[%dma_start3A_192, %dma_start3A_193] : memref<1000000x64xf32, #tpu.memory_space<hbm>> -> memref<1000000x64xf32, #tpu.memory_space<hbm>>
        tpu.enqueue_indirect_dma source(%dma_start3A_194 : memref<1000000x64xf32, #tpu.memory_space<hbm>>) target(%dma_start3A_188 : memref<128x64xf32, #tpu.memory_space<vmem>>) offsets(%dma_start3A_191 : memref<128xi32, #tpu.memory_space<vmem>>) semaphore(%arg9 : memref<!tpu.dma_semaphore, #tpu.memory_space<semaphore_mem>>)
        %dma_start3A_195 = arith.constant 1 : i32
        %dma_start3A_196 = arith.constant 1 : i32
        %dma_start3A_197 = arith.constant 0 : i32
        %dma_start3A_198 = arith.constant 0 : i32
        %dma_start3A_199 = tpu.memref_slice %arg7[%dma_start3A_196, %dma_start3A_197, %dma_start3A_198] : memref<4x128x64xf32, #tpu.memory_space<vmem>> -> memref<1x128x64xf32, #tpu.memory_space<vmem>>
        %dma_start3A_200 = tpu.memref_squeeze %dma_start3A_199 : memref<1x128x64xf32, #tpu.memory_space<vmem>> -> memref<128x64xf32, #tpu.memory_space<vmem>>
        %dma_start3A_201 = arith.constant 0 : i32
        %dma_start3A_202 = tpu.memref_slice %arg5[%dma_start3A_195, %dma_start3A_201] : memref<4x128xi32, #tpu.memory_space<vmem>> -> memref<1x128xi32, #tpu.memory_space<vmem>>
        %dma_start3A_203 = tpu.memref_squeeze %dma_start3A_202 : memref<1x128xi32, #tpu.memory_space<vmem>> -> memref<128xi32, #tpu.memory_space<vmem>>
        %dma_start3A_204 = arith.constant 0 : i32
        %dma_start3A_205 = arith.constant 0 : i32
        %dma_start3A_206 = tpu.memref_slice %arg3[%dma_start3A_204, %dma_start3A_205] : memref<1000000x64xf32, #tpu.memory_space<hbm>> -> memref<1000000x64xf32, #tpu.memory_space<hbm>>
        tpu.enqueue_indirect_dma source(%dma_start3A_206 : memref<1000000x64xf32, #tpu.memory_space<hbm>>) target(%dma_start3A_200 : memref<128x64xf32, #tpu.memory_space<vmem>>) offsets(%dma_start3A_203 : memref<128xi32, #tpu.memory_space<vmem>>) semaphore(%arg9 : memref<!tpu.dma_semaphore, #tpu.memory_space<semaphore_mem>>)
        %dma_start3A_207 = arith.constant 2 : i32
        %dma_start3A_208 = arith.constant 2 : i32
        %dma_start3A_209 = arith.constant 0 : i32
        %dma_start3A_210 = arith.constant 0 : i32
        %dma_start3A_211 = tpu.memref_slice %arg7[%dma_start3A_208, %dma_start3A_209, %dma_start3A_210] : memref<4x128x64xf32, #tpu.memory_space<vmem>> -> memref<1x128x64xf32, #tpu.memory_space<vmem>>
        %dma_start3A_212 = tpu.memref_squeeze %dma_start3A_211 : memref<1x128x64xf32, #tpu.memory_space<vmem>> -> memref<128x64xf32, #tpu.memory_space<vmem>>
        %dma_start3A_213 = arith.constant 0 : i32
        %dma_start3A_214 = tpu.memref_slice %arg5[%dma_start3A_207, %dma_start3A_213] : memref<4x128xi32, #tpu.memory_space<vmem>> -> memref<1x128xi32, #tpu.memory_space<vmem>>
        %dma_start3A_215 = tpu.memref_squeeze %dma_start3A_214 : memref<1x128xi32, #tpu.memory_space<vmem>> -> memref<128xi32, #tpu.memory_space<vmem>>
        %dma_start3A_216 = arith.constant 0 : i32
        %dma_start3A_217 = arith.constant 0 : i32
        %dma_start3A_218 = tpu.memref_slice %arg3[%dma_start3A_216, %dma_start3A_217] : memref<1000000x64xf32, #tpu.memory_space<hbm>> -> memref<1000000x64xf32, #tpu.memory_space<hbm>>
        tpu.enqueue_indirect_dma source(%dma_start3A_218 : memref<1000000x64xf32, #tpu.memory_space<hbm>>) target(%dma_start3A_212 : memref<128x64xf32, #tpu.memory_space<vmem>>) offsets(%dma_start3A_215 : memref<128xi32, #tpu.memory_space<vmem>>) semaphore(%arg9 : memref<!tpu.dma_semaphore, #tpu.memory_space<semaphore_mem>>)
        %dma_start3A_219 = arith.constant 3 : i32
        %dma_start3A_220 = arith.constant 3 : i32
        %dma_start3A_221 = arith.constant 0 : i32
        %dma_start3A_222 = arith.constant 0 : i32
        %dma_start3A_223 = tpu.memref_slice %arg7[%dma_start3A_220, %dma_start3A_221, %dma_start3A_222] : memref<4x128x64xf32, #tpu.memory_space<vmem>> -> memref<1x128x64xf32, #tpu.memory_space<vmem>>
        %dma_start3A_224 = tpu.memref_squeeze %dma_start3A_223 : memref<1x128x64xf32, #tpu.memory_space<vmem>> -> memref<128x64xf32, #tpu.memory_space<vmem>>
        %dma_start3A_225 = arith.constant 0 : i32
        %dma_start3A_226 = tpu.memref_slice %arg5[%dma_start3A_219, %dma_start3A_225] : memref<4x128xi32, #tpu.memory_space<vmem>> -> memref<1x128xi32, #tpu.memory_space<vmem>>
        %dma_start3A_227 = tpu.memref_squeeze %dma_start3A_226 : memref<1x128xi32, #tpu.memory_space<vmem>> -> memref<128xi32, #tpu.memory_space<vmem>>
        %dma_start3A_228 = arith.constant 0 : i32
        %dma_start3A_229 = arith.constant 0 : i32
        %dma_start3A_230 = tpu.memref_slice %arg3[%dma_start3A_228, %dma_start3A_229] : memref<1000000x64xf32, #tpu.memory_space<hbm>> -> memref<1000000x64xf32, #tpu.memory_space<hbm>>
        tpu.enqueue_indirect_dma source(%dma_start3A_230 : memref<1000000x64xf32, #tpu.memory_space<hbm>>) target(%dma_start3A_224 : memref<128x64xf32, #tpu.memory_space<vmem>>) offsets(%dma_start3A_227 : memref<128xi32, #tpu.memory_space<vmem>>) semaphore(%arg9 : memref<!tpu.dma_semaphore, #tpu.memory_space<semaphore_mem>>)
      } else {
      }
      %dma_wait3A_127 = arith.constant 0 : i32
      %dma_wait3A_128 = arith.constant 0 : i32
      %dma_wait3A_129 = arith.constant 0 : i32
      %dma_wait3A_130 = arith.constant 0 : i32
      %dma_wait3A_131 = tpu.memref_slice %arg8[%dma_wait3A_128, %dma_wait3A_129, %dma_wait3A_130] : memref<4x128x64xf32, #tpu.memory_space<vmem>> -> memref<1x128x64xf32, #tpu.memory_space<vmem>>
      %dma_wait3A_132 = tpu.memref_squeeze %dma_wait3A_131 : memref<1x128x64xf32, #tpu.memory_space<vmem>> -> memref<128x64xf32, #tpu.memory_space<vmem>>
      %dma_wait3A_133 = arith.constant 0 : i32
      %dma_wait3A_134 = tpu.memref_slice %arg6[%dma_wait3A_127, %dma_wait3A_133] : memref<4x128xi32, #tpu.memory_space<vmem>> -> memref<1x128xi32, #tpu.memory_space<vmem>>
      %dma_wait3A_135 = tpu.memref_squeeze %dma_wait3A_134 : memref<1x128xi32, #tpu.memory_space<vmem>> -> memref<128xi32, #tpu.memory_space<vmem>>
      %dma_wait3A_136 = arith.constant 0 : i32
      %dma_wait3A_137 = arith.constant 0 : i32
      %dma_wait3A_138 = tpu.memref_slice %arg3[%dma_wait3A_136, %dma_wait3A_137] : memref<1000000x64xf32, #tpu.memory_space<hbm>> -> memref<1000000x64xf32, #tpu.memory_space<hbm>>
      tpu.wait_indirect_dma semaphore(%arg10 : memref<!tpu.dma_semaphore, #tpu.memory_space<semaphore_mem>>) src(%dma_wait3A_138 : memref<1000000x64xf32, #tpu.memory_space<hbm>>) dst(%dma_wait3A_132 : memref<128x64xf32, #tpu.memory_space<vmem>>)
      %dma_wait3A_139 = arith.constant 1 : i32
      %dma_wait3A_140 = arith.constant 1 : i32
      %dma_wait3A_141 = arith.constant 0 : i32
      %dma_wait3A_142 = arith.constant 0 : i32
      %dma_wait3A_143 = tpu.memref_slice %arg8[%dma_wait3A_140, %dma_wait3A_141, %dma_wait3A_142] : memref<4x128x64xf32, #tpu.memory_space<vmem>> -> memref<1x128x64xf32, #tpu.memory_space<vmem>>
      %dma_wait3A_144 = tpu.memref_squeeze %dma_wait3A_143 : memref<1x128x64xf32, #tpu.memory_space<vmem>> -> memref<128x64xf32, #tpu.memory_space<vmem>>
      %dma_wait3A_145 = arith.constant 0 : i32
      %dma_wait3A_146 = tpu.memref_slice %arg6[%dma_wait3A_139, %dma_wait3A_145] : memref<4x128xi32, #tpu.memory_space<vmem>> -> memref<1x128xi32, #tpu.memory_space<vmem>>
      %dma_wait3A_147 = tpu.memref_squeeze %dma_wait3A_146 : memref<1x128xi32, #tpu.memory_space<vmem>> -> memref<128xi32, #tpu.memory_space<vmem>>
      %dma_wait3A_148 = arith.constant 0 : i32
      %dma_wait3A_149 = arith.constant 0 : i32
      %dma_wait3A_150 = tpu.memref_slice %arg3[%dma_wait3A_148, %dma_wait3A_149] : memref<1000000x64xf32, #tpu.memory_space<hbm>> -> memref<1000000x64xf32, #tpu.memory_space<hbm>>
      tpu.wait_indirect_dma semaphore(%arg10 : memref<!tpu.dma_semaphore, #tpu.memory_space<semaphore_mem>>) src(%dma_wait3A_150 : memref<1000000x64xf32, #tpu.memory_space<hbm>>) dst(%dma_wait3A_144 : memref<128x64xf32, #tpu.memory_space<vmem>>)
      %dma_wait3A_151 = arith.constant 2 : i32
      %dma_wait3A_152 = arith.constant 2 : i32
      %dma_wait3A_153 = arith.constant 0 : i32
      %dma_wait3A_154 = arith.constant 0 : i32
      %dma_wait3A_155 = tpu.memref_slice %arg8[%dma_wait3A_152, %dma_wait3A_153, %dma_wait3A_154] : memref<4x128x64xf32, #tpu.memory_space<vmem>> -> memref<1x128x64xf32, #tpu.memory_space<vmem>>
      %dma_wait3A_156 = tpu.memref_squeeze %dma_wait3A_155 : memref<1x128x64xf32, #tpu.memory_space<vmem>> -> memref<128x64xf32, #tpu.memory_space<vmem>>
      %dma_wait3A_157 = arith.constant 0 : i32
      %dma_wait3A_158 = tpu.memref_slice %arg6[%dma_wait3A_151, %dma_wait3A_157] : memref<4x128xi32, #tpu.memory_space<vmem>> -> memref<1x128xi32, #tpu.memory_space<vmem>>
      %dma_wait3A_159 = tpu.memref_squeeze %dma_wait3A_158 : memref<1x128xi32, #tpu.memory_space<vmem>> -> memref<128xi32, #tpu.memory_space<vmem>>
      %dma_wait3A_160 = arith.constant 0 : i32
      %dma_wait3A_161 = arith.constant 0 : i32
      %dma_wait3A_162 = tpu.memref_slice %arg3[%dma_wait3A_160, %dma_wait3A_161] : memref<1000000x64xf32, #tpu.memory_space<hbm>> -> memref<1000000x64xf32, #tpu.memory_space<hbm>>
      tpu.wait_indirect_dma semaphore(%arg10 : memref<!tpu.dma_semaphore, #tpu.memory_space<semaphore_mem>>) src(%dma_wait3A_162 : memref<1000000x64xf32, #tpu.memory_space<hbm>>) dst(%dma_wait3A_156 : memref<128x64xf32, #tpu.memory_space<vmem>>)
      %dma_wait3A_163 = arith.constant 3 : i32
      %dma_wait3A_164 = arith.constant 3 : i32
      %dma_wait3A_165 = arith.constant 0 : i32
      %dma_wait3A_166 = arith.constant 0 : i32
      %dma_wait3A_167 = tpu.memref_slice %arg8[%dma_wait3A_164, %dma_wait3A_165, %dma_wait3A_166] : memref<4x128x64xf32, #tpu.memory_space<vmem>> -> memref<1x128x64xf32, #tpu.memory_space<vmem>>
      %dma_wait3A_168 = tpu.memref_squeeze %dma_wait3A_167 : memref<1x128x64xf32, #tpu.memory_space<vmem>> -> memref<128x64xf32, #tpu.memory_space<vmem>>
      %dma_wait3A_169 = arith.constant 0 : i32
      %dma_wait3A_170 = tpu.memref_slice %arg6[%dma_wait3A_163, %dma_wait3A_169] : memref<4x128xi32, #tpu.memory_space<vmem>> -> memref<1x128xi32, #tpu.memory_space<vmem>>
      %dma_wait3A_171 = tpu.memref_squeeze %dma_wait3A_170 : memref<1x128xi32, #tpu.memory_space<vmem>> -> memref<128xi32, #tpu.memory_space<vmem>>
      %dma_wait3A_172 = arith.constant 0 : i32
      %dma_wait3A_173 = arith.constant 0 : i32
      %dma_wait3A_174 = tpu.memref_slice %arg3[%dma_wait3A_172, %dma_wait3A_173] : memref<1000000x64xf32, #tpu.memory_space<hbm>> -> memref<1000000x64xf32, #tpu.memory_space<hbm>>
      tpu.wait_indirect_dma semaphore(%arg10 : memref<!tpu.dma_semaphore, #tpu.memory_space<semaphore_mem>>) src(%dma_wait3A_174 : memref<1000000x64xf32, #tpu.memory_space<hbm>>) dst(%dma_wait3A_168 : memref<128x64xf32, #tpu.memory_space<vmem>>)
      %mul3A_175 = arith.constant 4 : i32
      %mul3A_176 = arith.muli %add3A_119, %mul3A_175 : i32
      %add3A_177 = arith.addi %mul3A_2, %mul3A_176 : i32
      "tpu.region"() ({
        %run_scoped3A = tpu.sem_alloc : memref<!tpu.dma_semaphore, #tpu.memory_space<semaphore_mem>>
        %dma_start3A_178 = arith.constant 0 : i32
        %dma_start3A_179 = arith.constant 0 : i32
        %dma_start3A_180 = tpu.memref_slice %arg4[%add3A_177, %dma_start3A_178, %dma_start3A_179] : memref<2560x128x64xf32, #tpu.memory_space<hbm>> -> memref<4x128x64xf32, #tpu.memory_space<hbm>>
        %dma_start3A_181 = arith.constant 0 : i32
        %dma_start3A_182 = arith.constant 0 : i32
        %dma_start3A_183 = tpu.memref_slice %arg4[%add3A_177, %dma_start3A_181, %dma_start3A_182] : memref<2560x128x64xf32, #tpu.memory_space<hbm>> -> memref<4x128x64xf32, #tpu.memory_space<hbm>>
        tpu.enqueue_dma source(%arg8 : memref<4x128x64xf32, #tpu.memory_space<vmem>>) target(%dma_start3A_183 : memref<4x128x64xf32, #tpu.memory_space<hbm>>) target_semaphore(%run_scoped3A : memref<!tpu.dma_semaphore, #tpu.memory_space<semaphore_mem>>)
        %dma_wait3A_184 = arith.constant 0 : i32
        %dma_wait3A_185 = arith.constant 0 : i32
        %dma_wait3A_186 = tpu.memref_slice %arg4[%add3A_177, %dma_wait3A_184, %dma_wait3A_185] : memref<2560x128x64xf32, #tpu.memory_space<hbm>> -> memref<4x128x64xf32, #tpu.memory_space<hbm>>
        %dma_wait3A_187 = arith.constant 0 : i32
        %dma_wait3A_188 = arith.constant 0 : i32
        %dma_wait3A_189 = tpu.memref_slice %arg4[%add3A_177, %dma_wait3A_187, %dma_wait3A_188] : memref<2560x128x64xf32, #tpu.memory_space<hbm>> -> memref<4x128x64xf32, #tpu.memory_space<hbm>>
        tpu.wait_dma2 semaphore(%run_scoped3A : memref<!tpu.dma_semaphore, #tpu.memory_space<semaphore_mem>>) src(%arg8 : memref<4x128x64xf32, #tpu.memory_space<vmem>>) dst(%dma_wait3A_189 : memref<4x128x64xf32, #tpu.memory_space<hbm>>)
        tpu.yield
      }) : () -> ()
    }
    %scan3A_56 = arith.constant 10 : i32
    return
  }
}

module attributes {stable_mosaic.version = 14 : i64} {
  func.func @body(%arg0: i32, %arg1: memref<64x10240xf32, #tpu.memory_space<vmem>>, %arg2: memref<5120x128xf32, #tpu.memory_space<vmem>>) attributes {dimension_semantics = [#tpu.dimension_semantics<arbitrary>], iteration_bounds = array<i64: 98>, scalar_prefetch = 0 : i64, scratch_operands = 0 : i64, tpu.core_type = #tpu.core_type<tc>, window_params = [{transform_indices = @transform_0, window_bounds = array<i64: 64, 10240>}, {transform_indices = @transform_1, window_bounds = array<i64: 5120, 128>}]} {
    %get3A = arith.constant 0 : index
    %get3A_0 = arith.constant 0 : index
    %get3A_1 = vector.load %arg1[%get3A, %get3A_0] : memref<64x10240xf32, #tpu.memory_space<vmem>>, vector<64x10240xf32>
    %transpose3A = tpu.transpose %get3A_1, [1, 0] : vector<64x10240xf32> -> vector<10240x64xf32>
    %reshape3A = vector.shape_cast %transpose3A : vector<10240x64xf32> to vector<5120x2x64xf32>
    %slice3A = vector.extract_strided_slice %reshape3A {offsets = [0, 0, 0], sizes = [5120, 1, 64], strides = [1, 1, 1]} : vector<5120x2x64xf32> to vector<5120x1x64xf32>
    %squeeze3A = vector.shape_cast %slice3A : vector<5120x1x64xf32> to vector<5120x64xf32>
    %slice3A_2 = vector.extract_strided_slice %reshape3A {offsets = [0, 1, 0], sizes = [5120, 1, 64], strides = [1, 1, 1]} : vector<5120x2x64xf32> to vector<5120x1x64xf32>
    %squeeze3A_3 = vector.shape_cast %slice3A_2 : vector<5120x1x64xf32> to vector<5120x64xf32>
    %concatenate3A = tpu.concatenate %squeeze3A, %squeeze3A_3 in 1 : vector<5120x64xf32>, vector<5120x64xf32> -> vector<5120x128xf32>
    %swap3A = arith.constant 0 : index
    %swap3A_4 = arith.constant 0 : index
    %swap3A_5 = vector.load %arg2[%swap3A, %swap3A_4] : memref<5120x128xf32, #tpu.memory_space<vmem>>, vector<5120x128xf32>
    tpu.vector_store %arg2[%swap3A, %swap3A_4], %concatenate3A {strides = array<i32>} : memref<5120x128xf32, #tpu.memory_space<vmem>>, vector<5120x128xf32>,
    return
  }
  func.func @transform_0(%arg0: i32) -> (i32, i32) {
    %c0_i32 = arith.constant 0 : i32
    %c0_i32_0 = arith.constant 0 : i32
    return %c0_i32, %arg0 : i32, i32
  }
  func.func @transform_1(%arg0: i32) -> (i32, i32) {
    %c0_i32 = arith.constant 0 : i32
    %c0_i32_0 = arith.constant 0 : i32
    return %arg0, %c0_i32 : i32, i32
  }
}

</mosaic_0001>

<sc_bundles>
// kernel: kernel.4.cloned.1.call-start
scs
__scs_entry_jumppad:
0x0: {  	(pc) =	sbr.rel $0x88, $3  }
0x1: {  	(tag) =	ssettag $0x0;
	lr =	simm.s32 $0x1  }
0x2: {  	[smem:$0x3F9F] =	sst lr;
	_ =	strace $0xD0000000  }
0x3: {  	_ = 	snop  }
0x4: {  	_ = 	snop  }
0x5: {  	_ = 	snop  }
0x6: {  	_ = 	snop  }
0x7: {  	_ = 	snop  }
__scs_overlays_trampoline_lowered:
0x8: {  	[smem:$0x3FAE] =	sst s0  }
0x9: {  	[smem:$0x3FAF] =	sst s1  }
0xa: {  	[smem:$0x3FB0] =	sst s2  }
0xb: {  	[smem:$0x3FB1] =	sst s3  }
0xc: {  	[smem:$0x3FB2] =	sst s4  }
0xd: {  	[smem:$0x3FB3] =	sst s5  }
0xe: {  	[smem:$0x3FB4] =	sst s6  }
0xf: {  	[smem:$0x3FB5] =	sst s7  }
0x10: {  	[smem:$0x3FB6] =	sst s8  }
0x11: {  	[smem:$0x3FB7] =	sst s9;
	s0 =	simm.s32 @!p0 $0x0  }
0x12: {  	s1 =	sld [smem:$0x3F9D];
	s0 =	simm.s32 @p0 $0x1  }
0x13: {  	[smem:$0x3FB8] =	sst s0;
	s0 =	simm.s32 @!p1 $0x0  }
0x14: {  	s2 =	sld [smem:$0x3F9C];
	s0 =	simm.s32 @p1 $0x1  }
0x15: {  	[smem:$0x3FB9] =	sst s0;
	s0 =	simm.s32 @!p2 $0x0  }
0x16: {  	s3 =	sld [smem:$0x3FDB];
	s0 =	simm.s32 @p2 $0x1  }
0x17: {  	s4 =	simm.s32 $0x1BF5;
	[smem:$0x3FBB] =	sst s0  }
0x18: {  	s0 =	sld [smem:$0x3F9E];
	_ =	swait.ge [sflag:s4], $0x0  }
0x19: {  	s7 =	sld [smem:$0x3F9F]  }
0x1a: {  	s8 =	sadd.s32 $0xFFFFE003, lr  }
0x1b: {  	s9 =	sadd.s32 $0xFFFFFEF7, lr;
	s5 =	simm.s32 $0xFFFFFFFF;
	p2 =	slt.u32 s8, $0xFFFFF086  }
0x1c: {  	p1 =	slt.u32 s9, $0xF7A;
	s5 =	simm.s32 @!p2 $0x0  }
0x1d: {  	s5 =	simm.s32 @p1 $0x1;
	p0 =	seq.s32 s7, s2  }
0x1e: {  	s7 =	smul.u32 @!p0 $0xF7A, s2;
	p2 =	seq.s32 @!p0 s5, $0x0  }
0x1f: {  	s9 =	smul.u32 $0xF7A, s1;
	s8 =	simm.s32 @!p0 $0x1BF5;
	p2 =	por !p2, p0  }
0x20: {  	[sflag:s8] =	ssyncset.s32 @!p0 $0xFFFFF086;
	s6 =	sadd.s32 @!p0 s3, s7;
	s7 =	simm.s32 @!p0 $0x108  }
0x21: {  	s3 =	sadd.s32 s3, s9;
	s6 =	sadd.s32 @!p0 $0x88, s6;
	s7 =	simm.s32 @p2 $0x1082  }
0x22: {  	[simem:s7], [sflag:s8] =	dma.local @!p0 [hbm:s6], $0xF7A  }
0x23: {  	s9 =	sor.u32 $0xD0000000, s2;
	s6 =	simm.s32 $0x108;
	_ =	swait.ge @!p0 [sflag:s8], $0x0  }
0x24: {  	s3 =	sadd.s32 $0x88, s3;
	s6 =	simm.s32 @!p1 $0x1082;
	[sflag:s4] =	ssyncset.s32 $0xFFFFF086  }
0x25: {  	[simem:s6], [sflag:s4] =	dma.local [hbm:s3], $0xF7A  }
0x26: {  	[smem:$0x3F9F] =	sst s1;
	(tag) =	ssettag s2;
	_ =	strace s9  }
0x27: {  	s1 =	sld [smem:$0x3FAF]  }
0x28: {  	s2 =	sld [smem:$0x3FB0]  }
0x29: {  	s4 =	sld [smem:$0x3FB2]  }
0x2a: {  	p0 =	seq.s32 s5, $0x0;
	s5 =	sld [smem:$0x3FB3]  }
0x2b: {  	s6 =	sld [smem:$0x3FB4]  }
0x2c: {  	s7 =	sld [smem:$0x3FB5]  }
0x2d: {  	s3 =	simm.s32 $0x108;
	s8 =	sld [smem:$0x3FB6]  }
0x2e: {  	s3 =	simm.s32 @!p0 $0x1082;
	s9 =	sld [smem:$0x3FB7]  }
0x2f: {  	lr =	sadd.s32 s0, s3;
	s0 =	sld [smem:$0x3FAE]  }
0x30: {  	s3 =	sld [smem:$0x3FB1]  }
0x31: {  	[smem:$0x3FBA] =	sst s10  }
0x32: {  	s10 =	sld [smem:$0x3FB8];
	_ =	sdelay $0x3  }
0x33: {  	p0 =	seq.s32 s10, $0x1;
	s10 =	sld [smem:$0x3FBA];
	_ =	sdelay $0x3  }
0x34: {  	[smem:$0x3FBA] =	sst s10  }
0x35: {  	s10 =	sld [smem:$0x3FB9];
	_ =	sdelay $0x3  }
0x36: {  	p1 =	seq.s32 s10, $0x1;
	s10 =	sld [smem:$0x3FBA];
	_ =	sdelay $0x3  }
0x37: {  	[smem:$0x3FBA] =	sst s10  }
0x38: {  	s10 =	sld [smem:$0x3FBB]  }
0x39: {  	_ = 	snop;
	(pc) =	sbr.ind lr, $3  }
0x3a: {  	_ = 	snop  }
0x3b: {  	_ = 	snop  }
0x3c: {  	p2 =	seq.s32 s10, $0x1;
	s10 =	sld [smem:$0x3FBA]  }
0x3d: {  	_ =	shalt  }
0x3e: {  	_ =	shalt  }
0x3f: {  	_ =	shalt  }
0x40: {  	_ =	shalt  }
0x41: {  	_ =	shalt  }
0x42: {  	_ =	shalt  }
0x43: {  	_ =	shalt  }
0x44: {  	_ =	shalt  }
0x45: {  	_ =	shalt  }
0x46: {  	_ =	shalt  }
0x47: {  	_ =	shalt  }
0x48: {  	_ =	shalt  }
0x49: {  	_ =	shalt  }
0x4a: {  	_ =	shalt  }
0x4b: {  	_ =	shalt  }
0x4c: {  	_ =	shalt  }
0x4d: {  	_ =	shalt  }
0x4e: {  	_ =	shalt  }
0x4f: {  	_ =	shalt  }
0x50: {  	_ =	shalt  }
0x51: {  	_ =	shalt  }
0x52: {  	_ =	shalt  }
0x53: {  	_ =	shalt  }
0x54: {  	_ =	shalt  }
0x55: {  	_ =	shalt  }
0x56: {  	_ =	shalt  }
0x57: {  	_ =	shalt  }
0x58: {  	_ =	shalt  }
0x59: {  	_ =	shalt  }
0x5a: {  	_ =	shalt  }
0x5b: {  	_ =	shalt  }
0x5c: {  	_ =	shalt  }
0x5d: {  	_ =	shalt  }
0x5e: {  	_ =	shalt  }
0x5f: {  	_ =	shalt  }
0x60: {  	_ =	shalt  }
0x61: {  	_ =	shalt  }
0x62: {  	_ =	shalt  }
0x63: {  	_ =	shalt  }
0x64: {  	_ =	shalt  }
0x65: {  	_ =	shalt  }
0x66: {  	_ =	shalt  }
0x67: {  	_ =	shalt  }
0x68: {  	_ =	shalt  }
0x69: {  	_ =	shalt  }
0x6a: {  	_ =	shalt  }
0x6b: {  	_ =	shalt  }
0x6c: {  	_ =	shalt  }
0x6d: {  	_ =	shalt  }
0x6e: {  	_ =	shalt  }
0x6f: {  	_ =	shalt  }
0x70: {  	_ =	shalt  }
0x71: {  	_ =	shalt  }
0x72: {  	_ =	shalt  }
0x73: {  	_ =	shalt  }
0x74: {  	_ =	shalt  }
0x75: {  	_ =	shalt  }
0x76: {  	_ =	shalt  }
0x77: {  	_ =	shalt  }
0x78: {  	_ =	shalt  }
0x79: {  	_ =	shalt  }
0x7a: {  	_ =	shalt  }
0x7b: {  	_ =	shalt  }
0x7c: {  	_ =	shalt  }
0x7d: {  	_ =	shalt  }
0x7e: {  	_ =	shalt  }
0x7f: {  	_ =	shalt  }
0x80: {  	_ =	shalt  }
0x81: {  	_ =	shalt  }
0x82: {  	_ =	shalt  }
0x83: {  	_ =	shalt  }
0x84: {  	_ =	shalt  }
0x85: {  	_ =	shalt  }
0x86: {  	_ =	shalt  }
0x87: {  	_ =	shalt  }
.Lfunc_end0:
.L_simem_size_0:
called_computation.1_lowered:
.L_overlay_start_0:
0x88: {  	s2 =	sld [smem:$0x3FD9]  }
0x89: {  	s3 =	sld [smem:$0x3FFE];
	_ =	sdelay $0x1  }
0x8a: {  	s1 =	srdreg.scid  }
0x8b: {  	s0 =	sand.u32 $0x1, s1  }
0x8c: {  	s17 =	sshll.u32 s0, $0xA;
	s2 =	sadd.s32 s3, s2  }
0x8d: {  	s2 =	sadd.s32 s2, s17  }
0x8e: {  	[smem:$0x3FC6] =	sst s2  }
0x8f: {  	_ = 	snop  }
0x90: {  	s2 =	sld [smem:$0x3FD0];
	(tm) =	ssettm $0x1  }
0x91: {  	s18 =	sld [smem:$0x3FFB];
	_ =	sdelay $0x3  }
0x92: {  	_ =	strace s18  }
0x93: {  	s3 =	sld [smem:$0x3FFC];
	_ =	sdelay $0x3  }
0x94: {  	_ =	strace s3  }
0x95: {  	s3 =	sld [smem:$0x3FFD];
	_ =	sdelay $0x3  }
0x96: {  	_ =	strace s3  }
0x97: {  	_ =	strace $0x8FFFFFFF  }
0x98: {  	s19 =	sld [smem:$0x3FDB];
	_ =	sdelay $0x1  }
0x99: {  	s4 =	simm.s32 $_scs_section_size  }
0x9a: {  	s5 =	simm.s32 $_size__tile_overlayer_lowered;
	s6 =	simm.s32 $_tile_overlayer_lowered  }
0x9b: {  	s22 =	simm.s32 $0x1BFF;
	s21 =	sshll.u32 s6, $0x1;
	s3 =	sadd.s32 s4, s19  }
0x9c: {  	s7 =	simm.s32 $0x0;
	s20 =	sshll.u32 s5, $0x1;
	s5 =	sadd.s32 s21, s3  }
0x9d: {  	[timem:s7], [sflag:s22] =	dma.local [hbm:s5], s20  }
0x9e: {  	_ =	swait.ge [sflag:s22], s20  }
0x9f: {  	s4 =	ssub.s32 $0x0, s20;
	[sflag:s22] =	ssyncset.done $0x0  }
0xa0: {  	[sflag:s22] =	ssyncadd.s32 s4;
	_ =	sdelay $0x1  }
0xa1: {  	s23 =	simm.s32 $0x1B8B  }
0xa2: {  	_ =	swait.ge [sflag:s23], $0x1  }
0xa3: {  	[sflag:s23] =	ssyncset.done $0x0  }
0xa4: {  	s25 =	simm.s32 $0x1B8E;
	s24 =	sld [smem:$0x3FFE];
	[sflag:s23] =	ssyncadd.s32 $0xFFFFFFFF  }
0xa5: {  	s26 =	simm.s32 $execute0_lowered;
	[smem:$0x3FD2] =	sst s25  }
0xa6: {  	s5 =	sshll.u32 s26, $0x1;
	_ =	strace $0x80000046;
	[dreg:$0x1] =	wrdreg $0xFFFFFFFF  }
0xa7: {  	s28 =	simm.s32 $_size_execute0_lowered;
	s3 =	sadd.s32 s3, s5;
	[dreg:$0x0] =	wrdreg $0x0  }
0xa8: {  	s5 =	sshll.u32 s28, $0x1;
	[dreg:$0x2] =	wrdreg s3  }
0xa9: {  	[dreg:$0x3] =	wrdreg s5  }
0xaa: {  	[dreg:$0x4] =	wrdreg $0xC0  }
0xab: {  	_ =	task [dreg:s7], $0x5FFFF  }
0xac: {  	[dreg:$0x1] =	wrdreg $0xFFFFFFFF  }
0xad: {  	[dreg:$0x0] =	wrdreg $0x60  }
0xae: {  	[dreg:$0x2] =	wrdreg s24  }
0xaf: {  	[dreg:$0x3] =	wrdreg s2  }
0xb0: {  	[dreg:$0x4] =	wrdreg $0x9  }
0xb1: {  	_ =	task.clear_ibuf [dreg:s7], $0x5FFFF;
	_ =	strace $0x90000046  }
0xb2: {  	s29 =	simm.s32 $0x9;
	_ =	strace $0x80000048  }
0xb3: {  	_ =	swait.ge [sflag:s29], $0x1  }
0xb4: {  	[sflag:s29] =	ssyncadd.s32 $0xFFFFFFFF  }
0xb5: {  	_ =	strace $0x90000048  }
0xb6: {  	_ =	sfence  }
0xb7: {  	s30 =	sld [smem:$0x0];
	_ =	sdelay $0x2  }
0xb8: {  	s31 =	sshll.u32 s1, $0xD;
	s1 =	sshrl.u32 s1, $0x2  }
0xb9: {  	s3 =	sand.u32 $0x4000, s31;
	s1 =	sadd.s32 s1, s30  }
0xba: {  	s0 =	sor.u32 s3, s0;
	s1 =	sshll.u32 s1, $0x11  }
0xbb: {  	s0 =	sor.u32 s1, s0  }
0xbc: {  	s0 =	sadd.s32 $0x8F2B, s0  }
0xbd: {  	[sflag:s0] =	ssyncadd.remote.s32 $0x1  }
0xbe: {  	_ =	sfence.sel $0xFFFF  }
0xbf: {  	[dreg:$0x0] =	wrdreg $0xFFFFFFFF;
	(pc) =	sbr.abs _section_cstart, $3  }
0xc0: {  	[dreg:$0x1] =	wrdreg $0xFFFFFFFF  }
0xc1: {  	_ =	task.clear_ibuf [dreg:s7], $0x2FFFF;
	_ =	strace $0x9FFFFFFF  }
0xc2: {  	(tm) =	ssettm $0x7FFFFFFF  }
0xc3: {  	_ =	shalt  }
tec
execute0_lowered:
.L_overlay_start_1:
0x0: {  	(tag) =	ssettag $0x1  }
0x1: {  	s0 =	rddreg [dreg:$0x0]  }
0x2: {  	s1 =	rddreg [dreg:$0x1];
	s3 =	srdreg.scid  }
0x3: {  	s9 =	stileid.u32;
	s2 =	simm.s32 $0x0;
	s16 =	simm.s32 $0x6400  }
0x4: {  	s17 =	simm.s32 $0x200;
	s18 =	simm.s32 $0x8400;
	s19 =	simm.s32 $0x280  }
0x5: {  	s20 =	simm.s32 $0xA400;
	s21 =	simm.s32 $0x300;
	s28 =	simm.s32 $0x0  }
0x6: {  	s4 =	sand.u32 $0x1, s3;
	s5 =	smul.u32 $0x5000, s9;
	[smem:$0x7FF] =	sst s2  }
0x7: {  	s22 =	sshll.u32 s9, $0x1;
	s8 =	sadd.s32 $0x800, s0;
	s9 =	smul.u32 $0x140000, s9  }
0x8: {  	s3 =	sadd.s32 $0xA800, s0;
	s6 =	smul.u32 $0x2800, s4;
	_ =	strace $0x80000047  }
0x9: {  	s7 =	sor.u32 s4, s22;
	s24 =	ssub.s32 $0x2, s4;
	s11 =	smul.u32 $0xA0000, s4  }
0xa: {  	s22 =	simm.s32 $0xC400;
	s23 =	smul.u32 $0x500, s7;
	s10 =	sshrl.u32 s24, $0x1  }
0xb: {  	s6 =	sadd.s32 s6, s5;
	s5 =	ssub.s32 s24, s10;
	s29 =	sadd.s32 s11, s9  }
0xc: {  	s10 =	simm.s32 $0x80;
	s11 =	simm.s32 $0x400;
	s24 =	simm.s32 $0xE400  }
0xd: {  	s25 =	sor.u32 $0x400, s6;
	s4 =	sadd.s32 s8, s23;
	s5 =	smax.u32 s5, $0x1  }
0xe: {  	s30 =	sshrl.u32 s29, $0x3;
	s0 =	sor.u32 $0x8000, s29;
	s31 =	sor.u32 $0x200, s6  }
0xf: {  	s23 =	simm.s32 $0x380;
	s7 =	sshrl.u32 s25, $0x3;
	s6 =	sadd.s32 s30, s1  }
0x10: {  	s0 =	sshrl.u32 s0, $0x3;
	s9 =	sshrl.u32 s31, $0x3;
	s25 =	simm.s32 $0x1  }
0x11: {  	s26 =	sadd.s32 s7, s8;
	s7 =	sadd.s32 s0, s1;
	s8 =	sadd.s32 s9, s8  }
0x12: {  	s9 =	simm.s32 $0x3;
	[dreg:$0x3] =	wrdreg s26;
	s26 =	simm.s32 $0x2  }
.LBB2_1:
0x13: {  	[tilespmem:s2], [sflag:$0x3] =	stream.linear.gather [hbm4b:s4+s2], $0x200, $0x38;
	[tilespmem:$0x10400] =	vst v63  }
0x14: {  	_ =	swait.ge [sflag:s9], $0x200  }
0x15: {  	[sflag:s9] =	ssyncset.done $0x0  }
0x16: {  	[sflag:s9] =	ssyncadd.s32 $0xFFFFFE00  }
0x17: {  	[tilespmem:s11], [sflag:$0x1] =	stream.indirect.gather [hbm4b:s3+s10], $0x40, s2, s10, $0xb8;
	[tilespmem:$0x10400] =	vst v63  }
0x18: {  	s0 =	simm.s32 $0x2400  }
0x19: {  	[tilespmem:s0], [sflag:$0x1] =	stream.indirect.gather [hbm4b:s3+s10], $0x40, s10, s10, $0xb8;
	[tilespmem:$0x10400] =	vst v63  }
0x1a: {  	s13 =	simm.s32 $0x100;
	s1 =	simm.s32 $0x4400  }
0x1b: {  	[tilespmem:s1], [sflag:$0x1] =	stream.indirect.gather [hbm4b:s3+s10], $0x40, s13, s10, $0xb8;
	[tilespmem:$0x10400] =	vst v63  }
0x1c: {  	s14 =	simm.s32 $0x180  }
0x1d: {  	[tilespmem:s16], [sflag:$0x1] =	stream.indirect.gather [hbm4b:s3+s10], $0x40, s14, s10, $0xb8;
	[tilespmem:$0x10400] =	vst v63  }
0x1e: {  	s15 =	sadd.s32 $0x0, s8  }
0x1f: {  	[tilespmem:s17], [sflag:$0x3] =	stream.linear.gather [hbm4b:s15+s2], $0x200, $0x38;
	[tilespmem:$0x10400] =	vst v63  }
0x20: {  	_ =	swait.ge [sflag:s9], $0x200  }
0x21: {  	[sflag:s9] =	ssyncset.done $0x0  }
0x22: {  	[sflag:s9] =	ssyncadd.s32 $0xFFFFFE00  }
0x23: {  	[tilespmem:s18], [sflag:$0x2] =	stream.indirect.gather [hbm4b:s3+s10], $0x40, s17, s10, $0xb8;
	[tilespmem:$0x10400] =	vst v63  }
0x24: {  	_ = 	snop  }
0x25: {  	[tilespmem:s20], [sflag:$0x2] =	stream.indirect.gather [hbm4b:s3+s10], $0x40, s19, s10, $0xb8;
	[tilespmem:$0x10400] =	vst v63  }
0x26: {  	_ = 	snop  }
0x27: {  	[tilespmem:s22], [sflag:$0x2] =	stream.indirect.gather [hbm4b:s3+s10], $0x40, s21, s10, $0xb8;
	[tilespmem:$0x10400] =	vst v63  }
0x28: {  	_ = 	snop  }
0x29: {  	[tilespmem:s24], [sflag:$0x2] =	stream.indirect.gather [hbm4b:s3+s10], $0x40, s23, s10, $0xb8;
	[tilespmem:$0x10400] =	vst v63  }
0x2a: {  	_ =	swait.ge [sflag:s25], $0x2000  }
0x2b: {  	[sflag:s25] =	ssyncset.done $0x0  }
0x2c: {  	[sflag:s25] =	ssyncadd.s32 $0xFFFFE000  }
0x2d: {  	_ =	swait.ge [sflag:s25], $0x2000  }
0x2e: {  	[sflag:s25] =	ssyncset.done $0x0  }
0x2f: {  	[sflag:s25] =	ssyncadd.s32 $0xFFFFE000  }
0x30: {  	_ =	swait.ge [sflag:s25], $0x2000  }
0x31: {  	[sflag:s25] =	ssyncset.done $0x0  }
0x32: {  	[sflag:s25] =	ssyncadd.s32 $0xFFFFE000  }
0x33: {  	_ =	swait.ge [sflag:s25], $0x2000  }
0x34: {  	[sflag:s25] =	ssyncset.done $0x0  }
0x35: {  	[sflag:s25] =	ssyncadd.s32 $0xFFFFE000  }
0x36: {  	[hbm4b:s6+s2] =	stream.linear.scatter [tilespmem:s11], [sflag:$0x3], $0x8000, $0x38;
	[tilespmem:$0x10400] =	vst v63  }
0x37: {  	p0 =	por $0x0, $0x0;
	_ =	swait.ge [sflag:s9], $0x8000  }
0x38: {  	s29 =	simm.s32 @!p0 $0x3;
	s0 =	rddreg [dreg:$0x3];
	[sflag:s9] =	ssyncset.done $0x0  }
0x39: {  	s1 =	simm.s32 @!p0 $0x0;
	[sflag:s9] =	ssyncadd.s32 $0xFFFF8000;
	s0 =	sadd.s32 @!p0 $0x0, s0  }
0x3a: {  	[tilespmem:s1], [sflag:$0x3] =	stream.linear.gather @!p0 [hbm4b:s0+s1], $0x200, $0x38;
	[tilespmem:$0x10400] =	vst v63  }
0x3b: {  	_ =	swait.ge @!p0 [sflag:s29], $0x200  }
0x3c: {  	[sflag:s29] =	ssyncset.done @!p0 $0x0  }
0x3d: {  	s30 =	simm.s32 @!p0 $0x400;
	s0 =	simm.s32 @!p0 $0x80;
	[sflag:s29] =	ssyncadd.s32 @!p0 $0xFFFFFE00  }
0x3e: {  	[tilespmem:s30], [sflag:$0x1] =	stream.indirect.gather @!p0 [hbm4b:s3+s0], $0x40, s1, s0, $0xb8;
	[tilespmem:$0x10400] =	vst v63  }
0x3f: {  	s1 =	simm.s32 @!p0 $0x2400  }
0x40: {  	[tilespmem:s1], [sflag:$0x1] =	stream.indirect.gather @!p0 [hbm4b:s3+s0], $0x40, s0, s0, $0xb8;
	[tilespmem:$0x10400] =	vst v63  }
0x41: {  	s29 =	simm.s32 @!p0 $0x4400;
	s1 =	simm.s32 @!p0 $0x100  }
0x42: {  	[tilespmem:s29], [sflag:$0x1] =	stream.indirect.gather @!p0 [hbm4b:s3+s0], $0x40, s1, s0, $0xb8;
	[tilespmem:$0x10400] =	vst v63  }
0x43: {  	s1 =	simm.s32 @!p0 $0x180;
	s29 =	simm.s32 @!p0 $0x6400  }
0x44: {  	[tilespmem:s29], [sflag:$0x1] =	stream.indirect.gather @!p0 [hbm4b:s3+s0], $0x40, s1, s0, $0xb8;
	[tilespmem:$0x10400] =	vst v63  }
0x45: {  	_ =	swait.ge [sflag:s26], $0x2000  }
0x46: {  	[sflag:s26] =	ssyncset.done $0x0  }
0x47: {  	[sflag:s26] =	ssyncadd.s32 $0xFFFFE000  }
0x48: {  	_ =	swait.ge [sflag:s26], $0x2000  }
0x49: {  	[sflag:s26] =	ssyncset.done $0x0  }
0x4a: {  	[sflag:s26] =	ssyncadd.s32 $0xFFFFE000  }
0x4b: {  	_ =	swait.ge [sflag:s26], $0x2000  }
0x4c: {  	[sflag:s26] =	ssyncset.done $0x0  }
0x4d: {  	[sflag:s26] =	ssyncadd.s32 $0xFFFFE000  }
0x4e: {  	_ =	swait.ge [sflag:s26], $0x2000  }
0x4f: {  	[sflag:s26] =	ssyncset.done $0x0  }
0x50: {  	s31 =	sadd.s32 $0x2000, s6;
	s30 =	simm.s32 $0x80;
	[sflag:s26] =	ssyncadd.s32 $0xFFFFE000  }
0x51: {  	[hbm4b:s7+s2] =	stream.linear.scatter [tilespmem:s18], [sflag:$0x3], $0x8000, $0x38;
	[tilespmem:$0x10400] =	vst v63  }
0x52: {  	s0 =	simm.s32 $0x100;
	s29 =	sadd.s32 $0x2000, s7;
	_ =	swait.ge [sflag:s9], $0x8000  }
.LBB2_2:
0x53: {  	[sflag:s9] =	ssyncset.done $0x0  }
0x54: {  	s12 =	sadd.s32 s30, s8;
	[sflag:s9] =	ssyncadd.s32 $0xFFFF8000  }
0x55: {  	[tilespmem:s17], [sflag:$0x3] =	stream.linear.gather [hbm4b:s12+s2], $0x200, $0x38;
	[tilespmem:$0x10400] =	vst v63  }
0x56: {  	_ =	swait.ge [sflag:s9], $0x200  }
0x57: {  	[sflag:s9] =	ssyncset.done $0x0  }
0x58: {  	[sflag:s9] =	ssyncadd.s32 $0xFFFFFE00  }
0x59: {  	[tilespmem:s18], [sflag:$0x2] =	stream.indirect.gather [hbm4b:s3+s10], $0x40, s17, s10, $0xb8;
	[tilespmem:$0x10400] =	vst v63  }
0x5a: {  	_ = 	snop  }
0x5b: {  	[tilespmem:s20], [sflag:$0x2] =	stream.indirect.gather [hbm4b:s3+s10], $0x40, s19, s10, $0xb8;
	[tilespmem:$0x10400] =	vst v63  }
0x5c: {  	_ = 	snop  }
0x5d: {  	[tilespmem:s22], [sflag:$0x2] =	stream.indirect.gather [hbm4b:s3+s10], $0x40, s21, s10, $0xb8;
	[tilespmem:$0x10400] =	vst v63  }
0x5e: {  	_ = 	snop  }
0x5f: {  	[tilespmem:s24], [sflag:$0x2] =	stream.indirect.gather [hbm4b:s3+s10], $0x40, s23, s10, $0xb8;
	[tilespmem:$0x10400] =	vst v63  }
0x60: {  	_ =	swait.ge [sflag:s25], $0x2000  }
0x61: {  	[sflag:s25] =	ssyncset.done $0x0  }
0x62: {  	[sflag:s25] =	ssyncadd.s32 $0xFFFFE000  }
0x63: {  	_ =	swait.ge [sflag:s25], $0x2000  }
0x64: {  	[sflag:s25] =	ssyncset.done $0x0  }
0x65: {  	[sflag:s25] =	ssyncadd.s32 $0xFFFFE000  }
0x66: {  	_ =	swait.ge [sflag:s25], $0x2000  }
0x67: {  	[sflag:s25] =	ssyncset.done $0x0  }
0x68: {  	[sflag:s25] =	ssyncadd.s32 $0xFFFFE000  }
0x69: {  	_ =	swait.ge [sflag:s25], $0x2000  }
0x6a: {  	[sflag:s25] =	ssyncset.done $0x0  }
0x6b: {  	[sflag:s25] =	ssyncadd.s32 $0xFFFFE000  }
0x6c: {  	[hbm4b:s31+s2] =	stream.linear.scatter [tilespmem:s11], [sflag:$0x3], $0x8000, $0x38;
	[tilespmem:$0x10400] =	vst v63  }
0x6d: {  	p1 =	seq.s32 s30, $0x480;
	_ =	swait.ge [sflag:s9], $0x8000  }
0x6e: {  	s13 =	simm.s32 @!p1 $0x0;
	s12 =	rddreg [dreg:$0x3];
	[sflag:s9] =	ssyncset.done $0x0  }
0x6f: {  	s14 =	simm.s32 @!p1 $0x3;
	[sflag:s9] =	ssyncadd.s32 $0xFFFF8000;
	s12 =	sadd.s32 @!p1 s30, s12  }
0x70: {  	[tilespmem:s13], [sflag:$0x3] =	stream.linear.gather @!p1 [hbm4b:s12+s13], $0x200, $0x38;
	[tilespmem:$0x10400] =	vst v63  }
0x71: {  	s1 =	smov.u32 s0;
	_ =	swait.ge @!p1 [sflag:s14], $0x200  }
0x72: {  	s30 =	smov.u32 s1;
	[sflag:s14] =	ssyncset.done @!p1 $0x0  }
0x73: {  	s1 =	simm.s32 @!p1 $0x80;
	s12 =	simm.s32 @!p1 $0x400;
	[sflag:s14] =	ssyncadd.s32 @!p1 $0xFFFFFE00  }
0x74: {  	[tilespmem:s12], [sflag:$0x1] =	stream.indirect.gather @!p1 [hbm4b:s3+s1], $0x40, s13, s1, $0xb8;
	[tilespmem:$0x10400] =	vst v63  }
0x75: {  	s14 =	simm.s32 @!p1 $0x2400  }
0x76: {  	[tilespmem:s14], [sflag:$0x1] =	stream.indirect.gather @!p1 [hbm4b:s3+s1], $0x40, s1, s1, $0xb8;
	[tilespmem:$0x10400] =	vst v63  }
0x77: {  	s12 =	simm.s32 @!p1 $0x100;
	s13 =	simm.s32 @!p1 $0x4400  }
0x78: {  	[tilespmem:s13], [sflag:$0x1] =	stream.indirect.gather @!p1 [hbm4b:s3+s1], $0x40, s12, s1, $0xb8;
	[tilespmem:$0x10400] =	vst v63  }
0x79: {  	s15 =	simm.s32 @!p1 $0x6400;
	s14 =	simm.s32 @!p1 $0x180  }
0x7a: {  	[tilespmem:s15], [sflag:$0x1] =	stream.indirect.gather @!p1 [hbm4b:s3+s1], $0x40, s14, s1, $0xb8;
	[tilespmem:$0x10400] =	vst v63  }
0x7b: {  	_ =	swait.ge [sflag:s26], $0x2000  }
0x7c: {  	[sflag:s26] =	ssyncset.done $0x0  }
0x7d: {  	[sflag:s26] =	ssyncadd.s32 $0xFFFFE000  }
0x7e: {  	_ =	swait.ge [sflag:s26], $0x2000  }
0x7f: {  	[sflag:s26] =	ssyncset.done $0x0  }
0x80: {  	[sflag:s26] =	ssyncadd.s32 $0xFFFFE000  }
0x81: {  	_ =	swait.ge [sflag:s26], $0x2000  }
0x82: {  	s0 =	sadd.s32 $0x80, s0;
	[sflag:s26] =	ssyncset.done $0x0  }
0x83: {  	p0 =	sne.s32 s0, $0x500;
	[sflag:s26] =	ssyncadd.s32 $0xFFFFE000  }
.Ltmp0:
0x84: {  	_ =	swait.ge [sflag:s26], $0x2000;
	(pc) =	sbr.rel @p0 .LBB2_2-.Ltmp0, $4  }
0x85: {  	[sflag:s26] =	ssyncset.done $0x0  }
0x86: {  	[sflag:s26] =	ssyncadd.s32 $0xFFFFE000  }
0x87: {  	[hbm4b:s29+s2] =	stream.linear.scatter [tilespmem:s18], [sflag:$0x3], $0x8000, $0x38;
	[tilespmem:$0x10400] =	vst v63  }
0x88: {  	s31 =	sadd.s32 $0x2000, s31;
	s29 =	sadd.s32 $0x2000, s29;
	_ =	swait.ge [sflag:s9], $0x8000  }
0x89: {  	[sflag:s9] =	ssyncset.done $0x0  }
0x8a: {  	s0 =	sadd.s32 s30, s8;
	[sflag:s9] =	ssyncadd.s32 $0xFFFF8000  }
0x8b: {  	[tilespmem:s17], [sflag:$0x3] =	stream.linear.gather [hbm4b:s0+s2], $0x200, $0x38;
	[tilespmem:$0x10400] =	vst v63  }
0x8c: {  	_ =	swait.ge [sflag:s9], $0x200  }
0x8d: {  	[sflag:s9] =	ssyncset.done $0x0  }
0x8e: {  	[sflag:s9] =	ssyncadd.s32 $0xFFFFFE00  }
0x8f: {  	[tilespmem:s18], [sflag:$0x2] =	stream.indirect.gather [hbm4b:s3+s10], $0x40, s17, s10, $0xb8;
	[tilespmem:$0x10400] =	vst v63  }
0x90: {  	_ = 	snop  }
0x91: {  	[tilespmem:s20], [sflag:$0x2] =	stream.indirect.gather [hbm4b:s3+s10], $0x40, s19, s10, $0xb8;
	[tilespmem:$0x10400] =	vst v63  }
0x92: {  	_ = 	snop  }
0x93: {  	[tilespmem:s22], [sflag:$0x2] =	stream.indirect.gather [hbm4b:s3+s10], $0x40, s21, s10, $0xb8;
	[tilespmem:$0x10400] =	vst v63  }
0x94: {  	_ = 	snop  }
0x95: {  	[tilespmem:s24], [sflag:$0x2] =	stream.indirect.gather [hbm4b:s3+s10], $0x40, s23, s10, $0xb8;
	[tilespmem:$0x10400] =	vst v63  }
0x96: {  	_ =	swait.ge [sflag:s25], $0x2000  }
0x97: {  	[sflag:s25] =	ssyncset.done $0x0  }
0x98: {  	[sflag:s25] =	ssyncadd.s32 $0xFFFFE000  }
0x99: {  	_ =	swait.ge [sflag:s25], $0x2000  }
0x9a: {  	[sflag:s25] =	ssyncset.done $0x0  }
0x9b: {  	[sflag:s25] =	ssyncadd.s32 $0xFFFFE000  }
0x9c: {  	_ =	swait.ge [sflag:s25], $0x2000  }
0x9d: {  	[sflag:s25] =	ssyncset.done $0x0  }
0x9e: {  	[sflag:s25] =	ssyncadd.s32 $0xFFFFE000  }
0x9f: {  	_ =	swait.ge [sflag:s25], $0x2000  }
0xa0: {  	[sflag:s25] =	ssyncset.done $0x0  }
0xa1: {  	[sflag:s25] =	ssyncadd.s32 $0xFFFFE000  }
0xa2: {  	[hbm4b:s31+s2] =	stream.linear.scatter [tilespmem:s11], [sflag:$0x3], $0x8000, $0x38;
	[tilespmem:$0x10400] =	vst v63  }
0xa3: {  	p0 =	seq.s32 s30, $0x480;
	_ =	swait.ge [sflag:s9], $0x8000  }
0xa4: {  	s1 =	simm.s32 @!p0 $0x0;
	s0 =	rddreg [dreg:$0x3];
	[sflag:s9] =	ssyncset.done $0x0  }
0xa5: {  	s12 =	simm.s32 @!p0 $0x3;
	[sflag:s9] =	ssyncadd.s32 $0xFFFF8000;
	s0 =	sadd.s32 @!p0 s30, s0  }
0xa6: {  	[tilespmem:s1], [sflag:$0x3] =	stream.linear.gather @!p0 [hbm4b:s0+s1], $0x200, $0x38;
	[tilespmem:$0x10400] =	vst v63  }
0xa7: {  	_ =	swait.ge @!p0 [sflag:s12], $0x200  }
0xa8: {  	[sflag:s12] =	ssyncset.done @!p0 $0x0  }
0xa9: {  	s13 =	simm.s32 @!p0 $0x400;
	s0 =	simm.s32 @!p0 $0x80;
	[sflag:s12] =	ssyncadd.s32 @!p0 $0xFFFFFE00  }
0xaa: {  	[tilespmem:s13], [sflag:$0x1] =	stream.indirect.gather @!p0 [hbm4b:s3+s0], $0x40, s1, s0, $0xb8;
	[tilespmem:$0x10400] =	vst v63  }
0xab: {  	s1 =	simm.s32 @!p0 $0x2400  }
0xac: {  	[tilespmem:s1], [sflag:$0x1] =	stream.indirect.gather @!p0 [hbm4b:s3+s0], $0x40, s0, s0, $0xb8;
	[tilespmem:$0x10400] =	vst v63  }
0xad: {  	s12 =	simm.s32 @!p0 $0x4400;
	s1 =	simm.s32 @!p0 $0x100  }
0xae: {  	[tilespmem:s12], [sflag:$0x1] =	stream.indirect.gather @!p0 [hbm4b:s3+s0], $0x40, s1, s0, $0xb8;
	[tilespmem:$0x10400] =	vst v63  }
0xaf: {  	s1 =	simm.s32 @!p0 $0x180;
	s12 =	simm.s32 @!p0 $0x6400  }
0xb0: {  	[tilespmem:s12], [sflag:$0x1] =	stream.indirect.gather @!p0 [hbm4b:s3+s0], $0x40, s1, s0, $0xb8;
	[tilespmem:$0x10400] =	vst v63  }
0xb1: {  	_ =	swait.ge [sflag:s26], $0x2000  }
0xb2: {  	[sflag:s26] =	ssyncset.done $0x0  }
0xb3: {  	[sflag:s26] =	ssyncadd.s32 $0xFFFFE000  }
0xb4: {  	_ =	swait.ge [sflag:s26], $0x2000  }
0xb5: {  	[sflag:s26] =	ssyncset.done $0x0  }
0xb6: {  	[sflag:s26] =	ssyncadd.s32 $0xFFFFE000  }
0xb7: {  	_ =	swait.ge [sflag:s26], $0x2000  }
0xb8: {  	[sflag:s26] =	ssyncset.done $0x0  }
0xb9: {  	[sflag:s26] =	ssyncadd.s32 $0xFFFFE000  }
0xba: {  	s28 =	sadd.s32 $0x1, s28;
	_ =	swait.ge [sflag:s26], $0x2000  }
0xbb: {  	p0 =	sne.s32 s28, s5;
	[sflag:s26] =	ssyncset.done $0x0  }
.Ltmp1:
0xbc: {  	[sflag:s26] =	ssyncadd.s32 $0xFFFFE000;
	(pc) =	sbr.rel @p0 .LBB2_1-.Ltmp1, $4  }
0xbd: {  	[hbm4b:s29+s2] =	stream.linear.scatter [tilespmem:s18], [sflag:$0x3], $0x8000, $0x38;
	[tilespmem:$0x10400] =	vst v63  }
0xbe: {  	_ =	swait.ge [sflag:s9], $0x8000  }
0xbf: {  	[sflag:s9] =	ssyncset.done $0x0  }
0xc0: {  	[sflag:s9] =	ssyncadd.s32 $0xFFFF8000  }
0xc1: {  	_ =	sfence.sel $0x180000  }
0xc2: {  	[bflag:$0x0] =	sbarrier.arrive $0xFFFF  }
0xc3: {  	_ =	strace $0x90000047  }
0xc4: {  	s0 =	stileid.u32;
	[bflag:$0x2] =	sbarrier.arrive $0xFFFF  }
0xc5: {  	p0 =	sne.s32 s0, $0x0;
	s0 =	rddreg [dreg:$0x2]  }
0xc6: {  	s0 =	sadd.s32 @!p0 $0x100000, s0  }
0xc7: {  	[sflag:s0] =	ssyncadd.tile.s32 @!p0 $0x1;
	_ =	shalt  }
.Lfunc_end2:
_tile_overlayer_lowered:
.L_overlay_start_2:
0xc8: {  	(tag) =	ssettag $0x2  }
0xc9: {  	s0 =	rddreg [dreg:$0x0];
	s2 =	stileid.u32  }
0xca: {  	s1 =	rddreg [dreg:$0x1];
	p0 =	sne.s32 s2, $0x0  }
0xcb: {  	s3 =	rddreg [dreg:$0x2];
	[bflag:$0x3] =	sbarrier.arrive $0xFFFF;
	s2 =	simm.s32 @!p0 $0x1C03  }
0xcc: {  	[timem:s3], [sflag:s2] =	dma.local @!p0 [hbm:s0], s1  }
0xcd: {  	s0 =	simm.s32 @!p0 $0x3  }
0xce: {  	_ =	swait.ge @!p0 [sflag:s0], s1  }
0xcf: {  	s1 =	ssub.s32 @!p0 $0x0, s1;
	[sflag:s0] =	ssyncset.done @!p0 $0x0  }
0xd0: {  	[sflag:s0] =	ssyncadd.s32 @!p0 s1  }
0xd1: {  	[bflag:$0x3] =	sbarrier.arrive $0xFFFF  }
0xd2: {  	_ =	shalt  }

// kernel: sparse-core-data-format-call.cloned.1.call-start
scs
called_computation_lowered:
.L_overlay_start_0:
0x0: {  	s2 =	sld [smem:$0x3FD9]  }
0x1: {  	s3 =	sld [smem:$0x3FFE];
	_ =	sdelay $0x1  }
0x2: {  	s1 =	srdreg.scid  }
0x3: {  	s0 =	sand.u32 $0x1, s1  }
0x4: {  	s18 =	sshll.u32 s0, $0xA;
	s2 =	sadd.s32 s3, s2  }
0x5: {  	s2 =	sadd.s32 s2, s18  }
0x6: {  	[smem:$0x3FC6] =	sst s2  }
0x7: {  	_ = 	snop  }
0x8: {  	s2 =	sld [smem:$0x3FD0];
	(tm) =	ssettm $0x1  }
0x9: {  	s19 =	sld [smem:$0x3FFB];
	_ =	sdelay $0x3  }
0xa: {  	_ =	strace s19  }
0xb: {  	s3 =	sld [smem:$0x3FFC];
	_ =	sdelay $0x3  }
0xc: {  	_ =	strace s3  }
0xd: {  	s3 =	sld [smem:$0x3FFD];
	_ =	sdelay $0x3  }
0xe: {  	_ =	strace s3  }
0xf: {  	_ =	strace $0x8FFFFFFF  }
0x10: {  	s20 =	sld [smem:$0x3FDB];
	_ =	sdelay $0x1  }
0x11: {  	s4 =	simm.s32 $_scs_section_size  }
0x12: {  	s5 =	simm.s32 $_size__tile_overlayer_lowered;
	s6 =	simm.s32 $_tile_overlayer_lowered  }
0x13: {  	s23 =	simm.s32 $0x1BFF;
	s22 =	sshll.u32 s6, $0x1;
	s3 =	sadd.s32 s4, s20  }
0x14: {  	s7 =	simm.s32 $0x0;
	s21 =	sshll.u32 s5, $0x1;
	s5 =	sadd.s32 s22, s3  }
0x15: {  	[timem:s7], [sflag:s23] =	dma.local [hbm:s5], s21  }
0x16: {  	_ =	swait.ge [sflag:s23], s21  }
0x17: {  	s4 =	ssub.s32 $0x0, s21;
	[sflag:s23] =	ssyncset.done $0x0  }
0x18: {  	[sflag:s23] =	ssyncadd.s32 s4;
	_ =	sdelay $0x1  }
0x19: {  	s24 =	simm.s32 $0x1B8B  }
0x1a: {  	_ =	swait.ge [sflag:s24], $0x1  }
0x1b: {  	[sflag:s24] =	ssyncset.done $0x0  }
0x1c: {  	s26 =	simm.s32 $0x1B8E;
	s25 =	sld [smem:$0x3FFE];
	[sflag:s24] =	ssyncadd.s32 $0xFFFFFFFF  }
0x1d: {  	s27 =	simm.s32 $execute0_lowered;
	[smem:$0x3FD2] =	sst s26  }
0x1e: {  	s5 =	sshll.u32 s27, $0x1;
	_ =	strace $0x80000049;
	[dreg:$0x1] =	wrdreg $0xFFFFFFFF  }
0x1f: {  	s28 =	simm.s32 $_size_execute0_lowered;
	s3 =	sadd.s32 s3, s5;
	[dreg:$0x0] =	wrdreg $0x0  }
0x20: {  	s5 =	sshll.u32 s28, $0x1;
	[dreg:$0x2] =	wrdreg s3  }
0x21: {  	[dreg:$0x3] =	wrdreg s5  }
0x22: {  	[dreg:$0x4] =	wrdreg $0xC0  }
0x23: {  	_ =	task [dreg:s7], $0x5FFFF  }
0x24: {  	[dreg:$0x1] =	wrdreg $0xFFFFFFFF  }
0x25: {  	[dreg:$0x0] =	wrdreg $0x60  }
0x26: {  	[dreg:$0x2] =	wrdreg s25  }
0x27: {  	[dreg:$0x3] =	wrdreg s2  }
0x28: {  	[dreg:$0x4] =	wrdreg $0x9  }
0x29: {  	_ =	task.clear_ibuf [dreg:s7], $0x5FFFF;
	_ =	strace $0x90000049  }
0x2a: {  	s29 =	simm.s32 $0x9;
	_ =	strace $0x8000004B  }
0x2b: {  	_ =	swait.ge [sflag:s29], $0x1  }
0x2c: {  	[sflag:s29] =	ssyncadd.s32 $0xFFFFFFFF  }
0x2d: {  	_ =	strace $0x9000004B  }
0x2e: {  	_ =	sfence  }
0x2f: {  	s30 =	sld [smem:$0x0];
	_ =	sdelay $0x2  }
0x30: {  	s31 =	sshll.u32 s1, $0xD;
	s1 =	sshrl.u32 s1, $0x2  }
0x31: {  	s3 =	sand.u32 $0x4000, s31;
	s1 =	sadd.s32 s1, s30  }
0x32: {  	s0 =	sor.u32 s3, s0;
	s1 =	sshll.u32 s1, $0x11  }
0x33: {  	s0 =	sor.u32 s1, s0  }
0x34: {  	s0 =	sadd.s32 $0x8F2B, s0  }
0x35: {  	[sflag:s0] =	ssyncadd.remote.s32 $0x1  }
0x36: {  	_ =	sfence.sel $0xFFFF  }
0x37: {  	[dreg:$0x0] =	wrdreg $0xFFFFFFFF;
	(pc) =	sbr.abs _section_cstart, $3  }
0x38: {  	[dreg:$0x1] =	wrdreg $0xFFFFFFFF  }
0x39: {  	_ =	task.clear_ibuf [dreg:s7], $0x2FFFF;
	_ =	strace $0x9FFFFFFF  }
0x3a: {  	(tm) =	ssettm $0x7FFFFFFF  }
0x3b: {  	_ =	shalt  }
tec
execute0_lowered:
.L_overlay_start_1:
0x0: {  	(tag) =	ssettag $0x1  }
0x1: {  	s0 =	srdreg.scid  }
0x2: {  	s1 =	sshll.u32 s0, $0x4  }
0x3: {  	s0 =	stileid.u32;
	s1 =	sand.u32 $0x10, s1  }
0x4: {  	s7 =	rddreg [dreg:$0x0];
	s1 =	sor.u32 s0, s1  }
0x5: {  	s4 =	simm.s32 $0x1;
	s8 =	simm.s32 $0x2;
	s2 =	sshll.u32 s1, $0x7  }
0x6: {  	s13 =	simm.s32 $0x0;
	s9 =	simm.s32 $0x20000;
	s1 =	ssub.s32 $0x4000, s2  }
0x7: {  	s14 =	simm.s32 $0x0;
	s11 =	simm.s32 $0x0;
	s3 =	sand.u32 $0xF80, s1  }
0x8: {  	s12 =	simm.s32 $0x0;
	s5 =	sshrl.u32 s1, $0xC;
	p0 =	sne.s32 s3, $0x0  }
.Ltmp0:
0x9: {  	s1 =	rddreg [dreg:$0x2];
	s4 =	simm.s32 @!p0 $0x0;
	(pc) =	sbr.rel .LBB1_1-.Ltmp0, $4  }
0xa: {  	s6 =	sadd.s32 $0x800, s7;
	s3 =	rddreg [dreg:$0x1];
	s5 =	sadd.s32 s4, s5  }
0xb: {  	_ =	strace $0x8000004A;
	s4 =	simm.s32 $0x1;
	s5 =	smul.u32 $0xA, s5  }
0xc: {  	s7 =	sadd.s32 $0x40800, s7;
	s10 =	smov.u32 s2;
	[sflag:s4] =	ssyncpa.u1 $0x0  }
0xd: {  	p0 =	por $0x0, $0x0;
	[sflag:s8] =	ssyncpa.u1 $0x0;
	s8 =	sor.u32 $0x1, s5  }
.LBB1_7:
0xe: {  	s15 =	sadd.s32 $0x1000, s10  }
0xf: {  	s13 =	sadd.s32 $0x2, s11;
	s17 =	smov.u32 s11;
	p2 =	sgt.s32 s15, $0x3FFF  }
0x10: {  	s17 =	smov.u32 @p2 s13  }
0x11: {  	s15 =	smov.u32 @p2 s2;
	p2 =	sgt.s32 s17, $0x13  }
0x12: {  	s17 =	simm.s32 @p2 $0x0;
	p2 =	sne.s32 s12, s8  }
.Ltmp1:
0x13: {  	p1 =	slt.u32 s12, $0x2;
	(pc) =	sbr.rel @!p2 .LBB1_8-.Ltmp1, $4  }
0x14: {  	s16 =	simm.s32 @!p1 $0x2  }
0x15: {  	s14 =	smov.u32 s11;
	p0 =	por !p0, !p0;
	_ =	swait.ge @!p1 [sflag:s16], $0x4000  }
0x16: {  	s13 =	smov.u32 s10;
	[sflag:s16] =	ssyncset.done @!p1 $0x0;
	s10 =	smov.u32 s15  }
0x17: {  	s12 =	sadd.s32 $0x1, s12;
	[sflag:s16] =	ssyncadd.s32 @!p1 $0xFFFFC000;
	s11 =	smov.u32 s17  }
.LBB1_1:
0x18: {  	p1 =	sge.u32 s12, s5  }
0x19: {  	s15 =	sxor.u32 @!p1 $0xFFFFFFFF, s12;
	s16 =	sshll.u32 @!p1 s11, $0x12  }
0x1a: {  	s17 =	sshll.u32 @!p1 s10, $0x4;
	s19 =	simm.s32 @!p1 $0x40;
	s20 =	simm.s32 @!p1 $0x80  }
0x1b: {  	s15 =	sshll.u32 @!p1 s15, $0xE;
	s17 =	sand.u32 @!p1 $0x3FFF0, s17;
	s18 =	sadd.s32 @!p1 s6, s16  }
0x1c: {  	s16 =	sadd.s32 @!p1 s16, s7;
	s15 =	sand.u32 @!p1 $0x4000, s15;
	s18 =	sadd.s32 @!p1 s17, s18  }
0x1d: {  	[tilespmem:s15], [sflag:$0x1] =	stream.strided.gather @!p1 [hbm4b:s18+s19], $0x2000, s20, s19, $0x38;
	[tilespmem:$0x10100] =	vst v63  }
0x1e: {  	s31 =	sadd.s32 $0xFFFFFFFF, s12;
	s16 =	sadd.s32 @!p1 s17, s16;
	s15 =	sor.u32 @!p1 $0x2000, s15  }
0x1f: {  	[tilespmem:s15], [sflag:$0x1] =	stream.strided.gather @!p1 [hbm4b:s16+s19], $0x2000, s20, s19, $0x38;
	[tilespmem:$0x10100] =	vst v63  }
0x20: {  	p1 =	sge.u32 s31, s5  }
.Ltmp2:
0x21: {  	_ = 	snop;
	(pc) =	sbr.rel @p1 .LBB1_7-.Ltmp2, $1  }
0x22: {  	_ =	sdelay $0x3  }
0x23: {  	s15 =	simm.s32 $0x1;
	s17 =	sand.u32 $0x1, s12  }
0x24: {  	_ =	swait.ge [sflag:s4], $0x4000;
	s15 =	simm.s32 @!p0 $0x0;
	s17 =	smul.u32 $0x10200, s17  }
0x25: {  	p2 =	por $0x1, $0x1;
	[sflag:s4] =	ssyncset.done $0x0;
	s16 =	smul.u32 $0x10200, s15  }
0x26: {  	s18 =	sshll.u32 s15, $0x10;
	[sflag:s4] =	ssyncadd.s32 $0xFFFFC000;
	s30 =	sshrl.u32 s17, $0x2  }
0x27: {  	s31 =	sshrl.u32 s18, $0x2;
	s18 =	simm.s32 $0x0;
	s16 =	sshrl.u32 s16, $0x2  }
0x28: {  	s15 =	sor.u32 $0x8000, s30;
	s17 =	sadd.s32 $0x20, s31;
	s16 =	sor.u32 $0x8000, s16  }
.LBB1_3:
0x29: {  	s19 =	sshll.u32 s18, $0xD  }
0x2a: {  	s19 =	sand.u32 $0x3FFFE000, s19  }
0x2b: {  	s21 =	sadd.s32 s19, s17  }
0x2c: {  	s31 =	smul.u32 $0x8100, s18;
	v3 =	vld [tilespmem:s21+$0x10]  }
0x2d: {  	v1 =	vld [tilespmem:s21+$0xFFFFFFF0]  }
0x2e: {  	s18 =	sshra.s32 s31, $0x2;
	v0 =	vld [tilespmem:s21+$0x0]  }
0x2f: {  	s18 =	sadd.s32 s18, s16;
	v2 =	vld [tilespmem:s21+$0xFFFFFFE0]  }
0x30: {  	s19 =	sadd.s32 $0x0, s18  }
0x31: {  	p1 =	por p2, p2;
	s20 =	simm.s32 $0x4;
	s21 =	sadd.s32 $0x40, s21;
	[tilespmem:s19+$0x1830 ss:$0x81] =	vst.msk $0xffff, v3  }
.LBB1_4:
0x32: {  	v3 =	vld [tilespmem:s21+$0x10];
	p2 =	sne.s32 s20, $0x1FC;
	[tilespmem:s19+$0x810 ss:$0x81] =	vst.msk $0xffff, v1;
	s22 =	smov.u32 s20;
	s20 =	sadd.s32 $0x4, s20  }
.Ltmp3:
0x33: {  	v1 =	vld [tilespmem:s21+$0xFFFFFFF0];
	[tilespmem:s19+$0x1020 ss:$0x81] =	vst.msk $0xffff, v0;
	(pc) =	sbr.rel @p2 .LBB1_4-.Ltmp3, $4  }
0x34: {  	v0 =	vld [tilespmem:s21+$0x0];
	[tilespmem:s19+$0x0 ss:$0x81] =	vst.msk $0xffff, v2  }
0x35: {  	s19 =	sshra.s32 s22, $0x2;
	v2 =	vld [tilespmem:s21+$0xFFFFFFE0]  }
0x36: {  	s19 =	sadd.s32 s19, s18  }
0x37: {  	s21 =	sadd.s32 $0x40, s21;
	[tilespmem:s19+$0x1830 ss:$0x81] =	vst.msk $0xffff, v3  }
.Ltmp4:
0x38: {  	(pc) =	sbr.rel @p1 .LBB1_3-.Ltmp4, $4  }
0x39: {  	_ = 	snop  }
0x3a: {  	[tilespmem:s19+$0x810 ss:$0x81] =	vst.msk $0xffff, v1  }
0x3b: {  	[tilespmem:s19+$0x1020 ss:$0x81] =	vst.msk $0xffff, v0  }
0x3c: {  	s18 =	simm.s32 $0x1;
	p2 =	por $0x0, $0x0;
	[tilespmem:s19+$0x0 ss:$0x81] =	vst.msk $0xffff, v2  }
0x3d: {  	s16 =	sshll.u32 s13, $0x3;
	s17 =	sand.u32 $0x78, s13;
	s14 =	sshll.u32 s14, $0x11  }
.Ltmp5:
0x3e: {  	s30 =	sand.u32 $0x1F800, s13;
	s16 =	sand.u32 $0x3C00, s16;
	(pc) =	sbr.rel .LBB1_7-.Ltmp5, $4  }
0x3f: {  	s31 =	sand.u32 $0x7, s13;
	s14 =	sadd.s32 s3, s14;
	s16 =	sor.u32 s17, s16  }
0x40: {  	s13 =	sshll.u32 s31, $0x12;
	s14 =	sadd.s32 s30, s14;
	s16 =	sshrl.u32 s16, $0x3  }
0x41: {  	s13 =	sor.u32 $0x400, s13;
	s14 =	sadd.s32 s16, s14  }
0x42: {  	[hbm4b:s14+s13] =	stream.strided.scatter [tilespmem:s15], [sflag:$0x2], $0x4000, s9, s13, $0x20;
	[tilespmem:$0x10100] =	vst v63  }
.LBB1_8:
0x43: {  	_ =	sfence.sel $0x180000  }
0x44: {  	s2 =	simm.s32 $0x1;
	[bflag:$0x0] =	sbarrier.arrive $0xFFFF  }
0x45: {  	s31 =	simm.s32 $0x2;
	[sflag:s2] =	ssyncpa.u1 $0x1  }
0x46: {  	[sflag:s31] =	ssyncpa.u1 $0x1  }
0x47: {  	p0 =	sne.s32 s0, $0x0;
	_ =	strace $0x9000004A  }
0x48: {  	s0 =	sadd.s32 @!p0 $0x100000, s1;
	[bflag:$0x2] =	sbarrier.arrive $0xFFFF  }
0x49: {  	[sflag:s0] =	ssyncadd.tile.s32 @!p0 $0x1;
	_ =	shalt  }
.Lfunc_end1:
_tile_overlayer_lowered:
.L_overlay_start_2:
0x4a: {  	(tag) =	ssettag $0x2  }
0x4b: {  	s0 =	rddreg [dreg:$0x0];
	s2 =	stileid.u32  }
0x4c: {  	s1 =	rddreg [dreg:$0x1];
	p0 =	sne.s32 s2, $0x0  }
0x4d: {  	s3 =	rddreg [dreg:$0x2];
	[bflag:$0x3] =	sbarrier.arrive $0xFFFF;
	s2 =	simm.s32 @!p0 $0x1C01  }
0x4e: {  	[timem:s3], [sflag:s2] =	dma.local @!p0 [hbm:s0], s1  }
0x4f: {  	s0 =	simm.s32 @!p0 $0x1  }
0x50: {  	_ =	swait.ge @!p0 [sflag:s0], s1  }
0x51: {  	s1 =	ssub.s32 @!p0 $0x0, s1;
	[sflag:s0] =	ssyncset.done @!p0 $0x0  }
0x52: {  	[sflag:s0] =	ssyncadd.s32 @!p0 s1  }
0x53: {  	[bflag:$0x3] =	sbarrier.arrive $0xFFFF  }
0x54: {  	_ =	shalt  }

</sc_bundles>
